<compile_context>
chip_gen: v7x
topology: tpu7x:2x2x1
jax: 0.10.2.dev20260603
libtpu: 0.0.44.dev20260713+nightly
codegen_flags: <defaults>
</compile_context>

<pallas_src>
import functools

import jax
import jax.numpy as jnp
from jax import lax
from jax.experimental import pallas as pl
from jax.experimental.pallas import tpu as pltpu
from jax.experimental.pallas import tpu_sc as plsc

B, S, D, K = 16384, 100, 64, 26
NC, NS = 2, 16
NW = NC * NS
R = S * D
OR = K * D
RPW = OR // NW
CH = 2
NCH = RPW // CH

_mesh = plsc.VectorSubcoreMesh(core_axis_name="c", subcore_axis_name="s")


@functools.partial(
    pl.kernel,
    mesh=_mesh,
    out_type=jax.ShapeDtypeStruct((OR, B), jnp.float32),
    compiler_params=pltpu.CompilerParams(needs_layout_passes=False),
    scratch_types=[
        pltpu.VMEM((32,), jnp.int32),
        pltpu.VMEM((256,), jnp.int32),
        pltpu.VMEM((CH, B), jnp.float32),
        pltpu.VMEM((CH, B), jnp.float32),
        pltpu.VMEM((CH, B), jnp.float32),
        pltpu.SemaphoreType.DMA,
        pltpu.SemaphoreType.DMA,
        pltpu.SemaphoreType.DMA,
        pltpu.SemaphoreType.DMA,
        pltpu.SemaphoreType.DMA,
        pltpu.SemaphoreType.DMA,
    ],
)
def _gather_kernel(xt_hbm, idx_hbm, out_hbm, idx_v, ridx_v, buf_a, buf_b,
                   buf_c, ga, gb, gc, sa, sb, sc):
    wid = lax.axis_index("s") * NC + lax.axis_index("c")
    pltpu.sync_copy(idx_hbm, idx_v)
    base = wid * RPW

    for v in range(4):
        t = base + v * 16 + lax.iota(jnp.int32, 16)
        g = plsc.load_gather(idx_v, [lax.shift_right_logical(t, 6)])
        tl = v * 16 + lax.iota(jnp.int32, 16)
        pos = lax.shift_left(lax.shift_right_logical(tl, 1), 3) + (tl & 1)
        plsc.store_scatter(ridx_v, [pos], lax.shift_left(g, 6) + (t & (D - 1)))

    bufs = (buf_a, buf_b, buf_c)
    gsems = (ga, gb, gc)
    ssems = (sa, sb, sc)

    def g_desc(i, b):
        return pltpu.make_async_copy(
            xt_hbm.at[ridx_v.at[pl.ds(i * 8, CH)]], bufs[b], gsems[b])

    def s_desc(i, b):
        return pltpu.make_async_copy(
            bufs[b], out_hbm.at[pl.ds(base + i * CH, CH)], ssems[b])

    g_desc(0, 0).start()
    g_desc(1, 1).start()

    def body(it, carry):
        for b in range(3):
            i = it * 3 + b
            g_desc(i, b).wait()
            s_desc(i, b).start()
            if b == 0:
                @pl.when(it > 0)
                def _():
                    s_desc(i - 1, 2).wait()
                    g_desc(i + 2, 2).start()

                @pl.when(it == 0)
                def _():
                    g_desc(i + 2, 2).start()
            else:
                s_desc(i - 1, b - 1).wait()
                g_desc(i + 2, (b + 2) % 3).start()
        return carry

    lax.fori_loop(0, 8, body, 0)
    g_desc(24, 0).wait()
    s_desc(24, 0).start()
    g_desc(25, 1).wait()
    s_desc(25, 1).start()
    s_desc(23, 2).wait()
    s_desc(24, 0).wait()
    s_desc(25, 1).wait()


def kernel(x, indices):
    xt = jnp.transpose(x, (1, 2, 0)).reshape(R, B)
    idx32 = jnp.concatenate(
        [indices.astype(jnp.int32), jnp.zeros((32 - K,), jnp.int32)])
    out2d = _gather_kernel(xt, idx32)
    return jnp.transpose(out2d.reshape(K, D, B), (2, 0, 1))

# --- scband reference (transcript-rebuilt; emitter-appended) ---
"""Pipeline reference for scband-gather-layer-31482110280210 (READ-ONLY COPY).

The authoritative reference and input builder live on the scoring server;
editing this copy changes nothing except your own understanding.
"""

import jax, jax.numpy as jnp
import numpy as np

INDICES = jnp.array([3, 7, 11, 14, 18, 22, 27, 31, 35, 40, 44, 48, 52, 57, 61, 65, 69, 73, 77, 81, 84, 87, 90, 93, 96, 99], dtype=jnp.int32)
AXIS = 1


def setup_inputs(seed: int = 0) -> dict:
    key = jax.random.key(seed)
    x = jax.random.normal(key, (16384, 100, 64), dtype=jnp.float32)
    return {"x": x, "indices": INDICES}


def reference(x, indices):
    # Faithful translation of tf.gather(x, indices=self.indices, axis=self.axis)
    return jnp.take(x, indices, axis=AXIS)

if __name__ == "__main__":
    import jax
    _d = setup_inputs()
    print(jax.jit(kernel)(*tuple(_d.values())))

</pallas_src>

<mosaic_0001>
#map = affine_map<(d0, d1) -> (0, 0)>
#map1 = affine_map<(d0, d1) -> (0)>
module attributes {stable_mosaic.version = 14 : i64} {
  func.func @_gather_kernel(%arg0: i32, %arg1: i32, %arg2: memref<6400x16384xf32, #tpu.memory_space<hbm>>, %arg3: memref<32xi32, #tpu.memory_space<hbm>>, %arg4: memref<1664x16384xf32, #tpu.memory_space<hbm>>, %arg5: memref<32xi32, #tpu.memory_space<vmem>>, %arg6: memref<256xi32, #tpu.memory_space<vmem>>, %arg7: memref<2x16384xf32, #tpu.memory_space<vmem>>, %arg8: memref<2x16384xf32, #tpu.memory_space<vmem>>, %arg9: memref<2x16384xf32, #tpu.memory_space<vmem>>, %arg10: memref<!tpu.dma_semaphore, #tpu.memory_space<semaphore_mem>>, %arg11: memref<!tpu.dma_semaphore, #tpu.memory_space<semaphore_mem>>, %arg12: memref<!tpu.dma_semaphore, #tpu.memory_space<semaphore_mem>>, %arg13: memref<!tpu.dma_semaphore, #tpu.memory_space<semaphore_mem>>, %arg14: memref<!tpu.dma_semaphore, #tpu.memory_space<semaphore_mem>>, %arg15: memref<!tpu.dma_semaphore, #tpu.memory_space<semaphore_mem>>) attributes {dimension_semantics = [#tpu.dimension_semantics<core_parallel>, #tpu.dimension_semantics<subcore_parallel>], iteration_bounds = array<i64: 2, 16>, scalar_prefetch = 0 : i64, scratch_operands = 11 : i64, tpu.core_type = #tpu.core_type<sc_vector_subcore>, window_params = [{transform_indices = #map}, {transform_indices = #map1}, {transform_indices = #map}]} {
    %mul3A = arith.constant 2 : i32
    %mul3A_0 = arith.muli %arg1, %mul3A : i32
    %add3A = arith.addi %mul3A_0, %arg0 : i32
    "tpu.region"() ({
      %run_scoped3A = tpu.sem_alloc : memref<!tpu.dma_semaphore, #tpu.memory_space<semaphore_mem>>
      tpu.enqueue_dma source(%arg3 : memref<32xi32, #tpu.memory_space<hbm>>) target(%arg5 : memref<32xi32, #tpu.memory_space<vmem>>) target_semaphore(%run_scoped3A : memref<!tpu.dma_semaphore, #tpu.memory_space<semaphore_mem>>)
      tpu.wait_dma2 semaphore(%run_scoped3A : memref<!tpu.dma_semaphore, #tpu.memory_space<semaphore_mem>>) src(%arg3 : memref<32xi32, #tpu.memory_space<hbm>>) dst(%arg5 : memref<32xi32, #tpu.memory_space<vmem>>)
      tpu.yield
    }) : () -> ()
    %mul3A_1 = arith.constant 52 : i32
    %mul3A_2 = arith.muli %add3A, %mul3A_1 : i32
    %add3A_3 = arith.constant 0 : i32
    %add3A_4 = arith.addi %mul3A_2, %add3A_3 : i32
    %iota3A = tpu.iota {dimensions = array<i32: 0>} : vector<16xi32>
    %add3A_5 = vector.broadcast %add3A_4 : i32 to vector<16xi32>
    %add3A_6 = arith.addi %add3A_5, %iota3A : vector<16xi32>
    %shift_right_logical3A = arith.constant 6 : i32
    %shift_right_logical3A_7 = vector.broadcast %shift_right_logical3A : i32 to vector<16xi32>
    %shift_right_logical3A_8 = arith.shrui %add3A_6, %shift_right_logical3A_7 : vector<16xi32>
    %gather3A = tpu.vector_load_idx %arg5[%shift_right_logical3A_8] : memref<32xi32, #tpu.memory_space<vmem>>[vector<16xi32>], vector<16xi32>,
    %iota3A_9 = tpu.iota {dimensions = array<i32: 0>} : vector<16xi32>
    %add3A_10 = arith.constant 0 : i32
    %add3A_11 = vector.broadcast %add3A_10 : i32 to vector<16xi32>
    %add3A_12 = arith.addi %add3A_11, %iota3A_9 : vector<16xi32>
    %shift_right_logical3A_13 = arith.constant 1 : i32
    %shift_right_logical3A_14 = vector.broadcast %shift_right_logical3A_13 : i32 to vector<16xi32>
    %shift_right_logical3A_15 = arith.shrui %add3A_12, %shift_right_logical3A_14 : vector<16xi32>
    %shift_left3A = arith.constant 3 : i32
    %shift_left3A_16 = vector.broadcast %shift_left3A : i32 to vector<16xi32>
    %shift_left3A_17 = arith.shli %shift_right_logical3A_15, %shift_left3A_16 : vector<16xi32>
    %and3A = arith.constant 1 : i32
    %and3A_18 = vector.broadcast %and3A : i32 to vector<16xi32>
    %and3A_19 = arith.andi %add3A_12, %and3A_18 : vector<16xi32>
    %add3A_20 = arith.addi %shift_left3A_17, %and3A_19 : vector<16xi32>
    %shift_left3A_21 = arith.constant 6 : i32
    %shift_left3A_22 = vector.broadcast %shift_left3A_21 : i32 to vector<16xi32>
    %shift_left3A_23 = arith.shli %gather3A, %shift_left3A_22 : vector<16xi32>
    %and3A_24 = arith.constant 63 : i32
    %and3A_25 = vector.broadcast %and3A_24 : i32 to vector<16xi32>
    %and3A_26 = arith.andi %add3A_6, %and3A_25 : vector<16xi32>
    %add3A_27 = arith.addi %shift_left3A_23, %and3A_26 : vector<16xi32>
    tpu.vector_store_idx %arg6[%add3A_20], %add3A_27 : memref<256xi32, #tpu.memory_space<vmem>>[vector<16xi32>], vector<16xi32>,
    %add3A_28 = arith.constant 16 : i32
    %add3A_29 = arith.addi %mul3A_2, %add3A_28 : i32
    %iota3A_30 = tpu.iota {dimensions = array<i32: 0>} : vector<16xi32>
    %add3A_31 = vector.broadcast %add3A_29 : i32 to vector<16xi32>
    %add3A_32 = arith.addi %add3A_31, %iota3A_30 : vector<16xi32>
    %shift_right_logical3A_33 = arith.constant 6 : i32
    %shift_right_logical3A_34 = vector.broadcast %shift_right_logical3A_33 : i32 to vector<16xi32>
    %shift_right_logical3A_35 = arith.shrui %add3A_32, %shift_right_logical3A_34 : vector<16xi32>
    %gather3A_36 = tpu.vector_load_idx %arg5[%shift_right_logical3A_35] : memref<32xi32, #tpu.memory_space<vmem>>[vector<16xi32>], vector<16xi32>,
    %iota3A_37 = tpu.iota {dimensions = array<i32: 0>} : vector<16xi32>
    %add3A_38 = arith.constant 16 : i32
    %add3A_39 = vector.broadcast %add3A_38 : i32 to vector<16xi32>
    %add3A_40 = arith.addi %add3A_39, %iota3A_37 : vector<16xi32>
    %shift_right_logical3A_41 = arith.constant 1 : i32
    %shift_right_logical3A_42 = vector.broadcast %shift_right_logical3A_41 : i32 to vector<16xi32>
    %shift_right_logical3A_43 = arith.shrui %add3A_40, %shift_right_logical3A_42 : vector<16xi32>
    %shift_left3A_44 = arith.constant 3 : i32
    %shift_left3A_45 = vector.broadcast %shift_left3A_44 : i32 to vector<16xi32>
    %shift_left3A_46 = arith.shli %shift_right_logical3A_43, %shift_left3A_45 : vector<16xi32>
    %and3A_47 = arith.constant 1 : i32
    %and3A_48 = vector.broadcast %and3A_47 : i32 to vector<16xi32>
    %and3A_49 = arith.andi %add3A_40, %and3A_48 : vector<16xi32>
    %add3A_50 = arith.addi %shift_left3A_46, %and3A_49 : vector<16xi32>
    %shift_left3A_51 = arith.constant 6 : i32
    %shift_left3A_52 = vector.broadcast %shift_left3A_51 : i32 to vector<16xi32>
    %shift_left3A_53 = arith.shli %gather3A_36, %shift_left3A_52 : vector<16xi32>
    %and3A_54 = arith.constant 63 : i32
    %and3A_55 = vector.broadcast %and3A_54 : i32 to vector<16xi32>
    %and3A_56 = arith.andi %add3A_32, %and3A_55 : vector<16xi32>
    %add3A_57 = arith.addi %shift_left3A_53, %and3A_56 : vector<16xi32>
    tpu.vector_store_idx %arg6[%add3A_50], %add3A_57 : memref<256xi32, #tpu.memory_space<vmem>>[vector<16xi32>], vector<16xi32>,
    %add3A_58 = arith.constant 32 : i32
    %add3A_59 = arith.addi %mul3A_2, %add3A_58 : i32
    %iota3A_60 = tpu.iota {dimensions = array<i32: 0>} : vector<16xi32>
    %add3A_61 = vector.broadcast %add3A_59 : i32 to vector<16xi32>
    %add3A_62 = arith.addi %add3A_61, %iota3A_60 : vector<16xi32>
    %shift_right_logical3A_63 = arith.constant 6 : i32
    %shift_right_logical3A_64 = vector.broadcast %shift_right_logical3A_63 : i32 to vector<16xi32>
    %shift_right_logical3A_65 = arith.shrui %add3A_62, %shift_right_logical3A_64 : vector<16xi32>
    %gather3A_66 = tpu.vector_load_idx %arg5[%shift_right_logical3A_65] : memref<32xi32, #tpu.memory_space<vmem>>[vector<16xi32>], vector<16xi32>,
    %iota3A_67 = tpu.iota {dimensions = array<i32: 0>} : vector<16xi32>
    %add3A_68 = arith.constant 32 : i32
    %add3A_69 = vector.broadcast %add3A_68 : i32 to vector<16xi32>
    %add3A_70 = arith.addi %add3A_69, %iota3A_67 : vector<16xi32>
    %shift_right_logical3A_71 = arith.constant 1 : i32
    %shift_right_logical3A_72 = vector.broadcast %shift_right_logical3A_71 : i32 to vector<16xi32>
    %shift_right_logical3A_73 = arith.shrui %add3A_70, %shift_right_logical3A_72 : vector<16xi32>
    %shift_left3A_74 = arith.constant 3 : i32
    %shift_left3A_75 = vector.broadcast %shift_left3A_74 : i32 to vector<16xi32>
    %shift_left3A_76 = arith.shli %shift_right_logical3A_73, %shift_left3A_75 : vector<16xi32>
    %and3A_77 = arith.constant 1 : i32
    %and3A_78 = vector.broadcast %and3A_77 : i32 to vector<16xi32>
    %and3A_79 = arith.andi %add3A_70, %and3A_78 : vector<16xi32>
    %add3A_80 = arith.addi %shift_left3A_76, %and3A_79 : vector<16xi32>
    %shift_left3A_81 = arith.constant 6 : i32
    %shift_left3A_82 = vector.broadcast %shift_left3A_81 : i32 to vector<16xi32>
    %shift_left3A_83 = arith.shli %gather3A_66, %shift_left3A_82 : vector<16xi32>
    %and3A_84 = arith.constant 63 : i32
    %and3A_85 = vector.broadcast %and3A_84 : i32 to vector<16xi32>
    %and3A_86 = arith.andi %add3A_62, %and3A_85 : vector<16xi32>
    %add3A_87 = arith.addi %shift_left3A_83, %and3A_86 : vector<16xi32>
    tpu.vector_store_idx %arg6[%add3A_80], %add3A_87 : memref<256xi32, #tpu.memory_space<vmem>>[vector<16xi32>], vector<16xi32>,
    %add3A_88 = arith.constant 48 : i32
    %add3A_89 = arith.addi %mul3A_2, %add3A_88 : i32
    %iota3A_90 = tpu.iota {dimensions = array<i32: 0>} : vector<16xi32>
    %add3A_91 = vector.broadcast %add3A_89 : i32 to vector<16xi32>
    %add3A_92 = arith.addi %add3A_91, %iota3A_90 : vector<16xi32>
    %shift_right_logical3A_93 = arith.constant 6 : i32
    %shift_right_logical3A_94 = vector.broadcast %shift_right_logical3A_93 : i32 to vector<16xi32>
    %shift_right_logical3A_95 = arith.shrui %add3A_92, %shift_right_logical3A_94 : vector<16xi32>
    %gather3A_96 = tpu.vector_load_idx %arg5[%shift_right_logical3A_95] : memref<32xi32, #tpu.memory_space<vmem>>[vector<16xi32>], vector<16xi32>,
    %iota3A_97 = tpu.iota {dimensions = array<i32: 0>} : vector<16xi32>
    %add3A_98 = arith.constant 48 : i32
    %add3A_99 = vector.broadcast %add3A_98 : i32 to vector<16xi32>
    %add3A_100 = arith.addi %add3A_99, %iota3A_97 : vector<16xi32>
    %shift_right_logical3A_101 = arith.constant 1 : i32
    %shift_right_logical3A_102 = vector.broadcast %shift_right_logical3A_101 : i32 to vector<16xi32>
    %shift_right_logical3A_103 = arith.shrui %add3A_100, %shift_right_logical3A_102 : vector<16xi32>
    %shift_left3A_104 = arith.constant 3 : i32
    %shift_left3A_105 = vector.broadcast %shift_left3A_104 : i32 to vector<16xi32>
    %shift_left3A_106 = arith.shli %shift_right_logical3A_103, %shift_left3A_105 : vector<16xi32>
    %and3A_107 = arith.constant 1 : i32
    %and3A_108 = vector.broadcast %and3A_107 : i32 to vector<16xi32>
    %and3A_109 = arith.andi %add3A_100, %and3A_108 : vector<16xi32>
    %add3A_110 = arith.addi %shift_left3A_106, %and3A_109 : vector<16xi32>
    %shift_left3A_111 = arith.constant 6 : i32
    %shift_left3A_112 = vector.broadcast %shift_left3A_111 : i32 to vector<16xi32>
    %shift_left3A_113 = arith.shli %gather3A_96, %shift_left3A_112 : vector<16xi32>
    %and3A_114 = arith.constant 63 : i32
    %and3A_115 = vector.broadcast %and3A_114 : i32 to vector<16xi32>
    %and3A_116 = arith.andi %add3A_92, %and3A_115 : vector<16xi32>
    %add3A_117 = arith.addi %shift_left3A_113, %and3A_116 : vector<16xi32>
    tpu.vector_store_idx %arg6[%add3A_110], %add3A_117 : memref<256xi32, #tpu.memory_space<vmem>>[vector<16xi32>], vector<16xi32>,
    %dma_start3A = arith.constant 0 : i32
    %dma_start3A_118 = tpu.memref_slice %arg6[%dma_start3A] : memref<256xi32, #tpu.memory_space<vmem>> -> memref<2xi32, #tpu.memory_space<vmem>>
    %dma_start3A_119 = arith.constant 0 : i32
    %dma_start3A_120 = arith.constant 0 : i32
    %dma_start3A_121 = tpu.memref_slice %arg2[%dma_start3A_119, %dma_start3A_120] : memref<6400x16384xf32, #tpu.memory_space<hbm>> -> memref<6400x16384xf32, #tpu.memory_space<hbm>>
    tpu.enqueue_indirect_dma source(%dma_start3A_121 : memref<6400x16384xf32, #tpu.memory_space<hbm>>) target(%arg7 : memref<2x16384xf32, #tpu.memory_space<vmem>>) offsets(%dma_start3A_118 : memref<2xi32, #tpu.memory_space<vmem>>) semaphore(%arg10 : memref<!tpu.dma_semaphore, #tpu.memory_space<semaphore_mem>>)
    %dma_start3A_122 = arith.constant 8 : i32
    %dma_start3A_123 = tpu.memref_slice %arg6[%dma_start3A_122] : memref<256xi32, #tpu.memory_space<vmem>> -> memref<2xi32, #tpu.memory_space<vmem>>
    %dma_start3A_124 = arith.constant 0 : i32
    %dma_start3A_125 = arith.constant 0 : i32
    %dma_start3A_126 = tpu.memref_slice %arg2[%dma_start3A_124, %dma_start3A_125] : memref<6400x16384xf32, #tpu.memory_space<hbm>> -> memref<6400x16384xf32, #tpu.memory_space<hbm>>
    tpu.enqueue_indirect_dma source(%dma_start3A_126 : memref<6400x16384xf32, #tpu.memory_space<hbm>>) target(%arg8 : memref<2x16384xf32, #tpu.memory_space<vmem>>) offsets(%dma_start3A_123 : memref<2xi32, #tpu.memory_space<vmem>>) semaphore(%arg11 : memref<!tpu.dma_semaphore, #tpu.memory_space<semaphore_mem>>)
    %scan3A = arith.constant 0 : i32
    %scan3A_127 = arith.constant 0 : i32
    %scan3A_128 = arith.constant 8 : i32
    %scan3A_129 = arith.addi %scan3A_127, %scan3A_128 : i32
    %scan3A_130 = arith.constant 1 : i32
    scf.for %scan3A_171 = %scan3A_127 to %scan3A_129 step %scan3A_130  : i32 {
      %mul3A_172 = arith.constant 3 : i32
      %mul3A_173 = arith.muli %scan3A_171, %mul3A_172 : i32
      %add3A_174 = arith.constant 0 : i32
      %add3A_175 = arith.addi %mul3A_173, %add3A_174 : i32
      %mul3A_176 = arith.constant 8 : i32
      %mul3A_177 = arith.muli %add3A_175, %mul3A_176 : i32
      %dma_wait3A_178 = tpu.memref_slice %arg6[%mul3A_177] : memref<256xi32, #tpu.memory_space<vmem>> -> memref<2xi32, #tpu.memory_space<vmem>>
      %dma_wait3A_179 = arith.constant 0 : i32
      %dma_wait3A_180 = arith.constant 0 : i32
      %dma_wait3A_181 = tpu.memref_slice %arg2[%dma_wait3A_179, %dma_wait3A_180] : memref<6400x16384xf32, #tpu.memory_space<hbm>> -> memref<6400x16384xf32, #tpu.memory_space<hbm>>
      tpu.wait_indirect_dma semaphore(%arg10 : memref<!tpu.dma_semaphore, #tpu.memory_space<semaphore_mem>>) src(%dma_wait3A_181 : memref<6400x16384xf32, #tpu.memory_space<hbm>>) dst(%arg7 : memref<2x16384xf32, #tpu.memory_space<vmem>>)
      %mul3A_182 = arith.constant 2 : i32
      %mul3A_183 = arith.muli %add3A_175, %mul3A_182 : i32
      %add3A_184 = arith.addi %mul3A_2, %mul3A_183 : i32
      %dma_start3A_185 = arith.constant 0 : i32
      %dma_start3A_186 = tpu.memref_slice %arg4[%add3A_184, %dma_start3A_185] : memref<1664x16384xf32, #tpu.memory_space<hbm>> -> memref<2x16384xf32, #tpu.memory_space<hbm>>
      %dma_start3A_187 = arith.constant 0 : i32
      %dma_start3A_188 = tpu.memref_slice %arg4[%add3A_184, %dma_start3A_187] : memref<1664x16384xf32, #tpu.memory_space<hbm>> -> memref<2x16384xf32, #tpu.memory_space<hbm>>
      tpu.enqueue_dma source(%arg7 : memref<2x16384xf32, #tpu.memory_space<vmem>>) target(%dma_start3A_188 : memref<2x16384xf32, #tpu.memory_space<hbm>>) target_semaphore(%arg13 : memref<!tpu.dma_semaphore, #tpu.memory_space<semaphore_mem>>)
      %gt3A = arith.constant 0 : i32
      %gt3A_189 = arith.cmpi sgt, %scan3A_171, %gt3A : i32
      %convert_element_type3A = arith.extui %gt3A_189 : i1 to i32
      %cond3A = arith.constant 0 : i32
      %cond3A_190 = arith.cmpi ne, %convert_element_type3A, %cond3A : i32
      scf.if %cond3A_190 {
        %sub3A_262 = arith.constant 1 : i32
        %sub3A_263 = arith.subi %add3A_175, %sub3A_262 : i32
        %mul3A_264 = arith.constant 2 : i32
        %mul3A_265 = arith.muli %sub3A_263, %mul3A_264 : i32
        %add3A_266 = arith.addi %mul3A_2, %mul3A_265 : i32
        %dma_wait3A_267 = arith.constant 0 : i32
        %dma_wait3A_268 = tpu.memref_slice %arg4[%add3A_266, %dma_wait3A_267] : memref<1664x16384xf32, #tpu.memory_space<hbm>> -> memref<2x16384xf32, #tpu.memory_space<hbm>>
        %dma_wait3A_269 = arith.constant 0 : i32
        %dma_wait3A_270 = tpu.memref_slice %arg4[%add3A_266, %dma_wait3A_269] : memref<1664x16384xf32, #tpu.memory_space<hbm>> -> memref<2x16384xf32, #tpu.memory_space<hbm>>
        tpu.wait_dma2 semaphore(%arg15 : memref<!tpu.dma_semaphore, #tpu.memory_space<semaphore_mem>>) src(%arg9 : memref<2x16384xf32, #tpu.memory_space<vmem>>) dst(%dma_wait3A_270 : memref<2x16384xf32, #tpu.memory_space<hbm>>)
        %add3A_271 = arith.constant 2 : i32
        %add3A_272 = arith.addi %add3A_175, %add3A_271 : i32
        %mul3A_273 = arith.constant 8 : i32
        %mul3A_274 = arith.muli %add3A_272, %mul3A_273 : i32
        %dma_start3A_275 = tpu.memref_slice %arg6[%mul3A_274] : memref<256xi32, #tpu.memory_space<vmem>> -> memref<2xi32, #tpu.memory_space<vmem>>
        %dma_start3A_276 = arith.constant 0 : i32
        %dma_start3A_277 = arith.constant 0 : i32
        %dma_start3A_278 = tpu.memref_slice %arg2[%dma_start3A_276, %dma_start3A_277] : memref<6400x16384xf32, #tpu.memory_space<hbm>> -> memref<6400x16384xf32, #tpu.memory_space<hbm>>
        tpu.enqueue_indirect_dma source(%dma_start3A_278 : memref<6400x16384xf32, #tpu.memory_space<hbm>>) target(%arg9 : memref<2x16384xf32, #tpu.memory_space<vmem>>) offsets(%dma_start3A_275 : memref<2xi32, #tpu.memory_space<vmem>>) semaphore(%arg12 : memref<!tpu.dma_semaphore, #tpu.memory_space<semaphore_mem>>)
      } else {
      }
      %eq3A = arith.constant 0 : i32
      %eq3A_191 = arith.cmpi eq, %scan3A_171, %eq3A : i32
      %convert_element_type3A_192 = arith.extui %eq3A_191 : i1 to i32
      %cond3A_193 = arith.constant 0 : i32
      %cond3A_194 = arith.cmpi ne, %convert_element_type3A_192, %cond3A_193 : i32
      scf.if %cond3A_194 {
        %add3A_262 = arith.constant 2 : i32
        %add3A_263 = arith.addi %add3A_175, %add3A_262 : i32
        %mul3A_264 = arith.constant 8 : i32
        %mul3A_265 = arith.muli %add3A_263, %mul3A_264 : i32
        %dma_start3A_266 = tpu.memref_slice %arg6[%mul3A_265] : memref<256xi32, #tpu.memory_space<vmem>> -> memref<2xi32, #tpu.memory_space<vmem>>
        %dma_start3A_267 = arith.constant 0 : i32
        %dma_start3A_268 = arith.constant 0 : i32
        %dma_start3A_269 = tpu.memref_slice %arg2[%dma_start3A_267, %dma_start3A_268] : memref<6400x16384xf32, #tpu.memory_space<hbm>> -> memref<6400x16384xf32, #tpu.memory_space<hbm>>
        tpu.enqueue_indirect_dma source(%dma_start3A_269 : memref<6400x16384xf32, #tpu.memory_space<hbm>>) target(%arg9 : memref<2x16384xf32, #tpu.memory_space<vmem>>) offsets(%dma_start3A_266 : memref<2xi32, #tpu.memory_space<vmem>>) semaphore(%arg12 : memref<!tpu.dma_semaphore, #tpu.memory_space<semaphore_mem>>)
      } else {
      }
      %mul3A_195 = arith.constant 3 : i32
      %mul3A_196 = arith.muli %scan3A_171, %mul3A_195 : i32
      %add3A_197 = arith.constant 1 : i32
      %add3A_198 = arith.addi %mul3A_196, %add3A_197 : i32
      %mul3A_199 = arith.constant 8 : i32
      %mul3A_200 = arith.muli %add3A_198, %mul3A_199 : i32
      %dma_wait3A_201 = tpu.memref_slice %arg6[%mul3A_200] : memref<256xi32, #tpu.memory_space<vmem>> -> memref<2xi32, #tpu.memory_space<vmem>>
      %dma_wait3A_202 = arith.constant 0 : i32
      %dma_wait3A_203 = arith.constant 0 : i32
      %dma_wait3A_204 = tpu.memref_slice %arg2[%dma_wait3A_202, %dma_wait3A_203] : memref<6400x16384xf32, #tpu.memory_space<hbm>> -> memref<6400x16384xf32, #tpu.memory_space<hbm>>
      tpu.wait_indirect_dma semaphore(%arg11 : memref<!tpu.dma_semaphore, #tpu.memory_space<semaphore_mem>>) src(%dma_wait3A_204 : memref<6400x16384xf32, #tpu.memory_space<hbm>>) dst(%arg8 : memref<2x16384xf32, #tpu.memory_space<vmem>>)
      %mul3A_205 = arith.constant 2 : i32
      %mul3A_206 = arith.muli %add3A_198, %mul3A_205 : i32
      %add3A_207 = arith.addi %mul3A_2, %mul3A_206 : i32
      %dma_start3A_208 = arith.constant 0 : i32
      %dma_start3A_209 = tpu.memref_slice %arg4[%add3A_207, %dma_start3A_208] : memref<1664x16384xf32, #tpu.memory_space<hbm>> -> memref<2x16384xf32, #tpu.memory_space<hbm>>
      %dma_start3A_210 = arith.constant 0 : i32
      %dma_start3A_211 = tpu.memref_slice %arg4[%add3A_207, %dma_start3A_210] : memref<1664x16384xf32, #tpu.memory_space<hbm>> -> memref<2x16384xf32, #tpu.memory_space<hbm>>
      tpu.enqueue_dma source(%arg8 : memref<2x16384xf32, #tpu.memory_space<vmem>>) target(%dma_start3A_211 : memref<2x16384xf32, #tpu.memory_space<hbm>>) target_semaphore(%arg14 : memref<!tpu.dma_semaphore, #tpu.memory_space<semaphore_mem>>)
      %sub3A = arith.constant 1 : i32
      %sub3A_212 = arith.subi %add3A_198, %sub3A : i32
      %mul3A_213 = arith.constant 2 : i32
      %mul3A_214 = arith.muli %sub3A_212, %mul3A_213 : i32
      %add3A_215 = arith.addi %mul3A_2, %mul3A_214 : i32
      %dma_wait3A_216 = arith.constant 0 : i32
      %dma_wait3A_217 = tpu.memref_slice %arg4[%add3A_215, %dma_wait3A_216] : memref<1664x16384xf32, #tpu.memory_space<hbm>> -> memref<2x16384xf32, #tpu.memory_space<hbm>>
      %dma_wait3A_218 = arith.constant 0 : i32
      %dma_wait3A_219 = tpu.memref_slice %arg4[%add3A_215, %dma_wait3A_218] : memref<1664x16384xf32, #tpu.memory_space<hbm>> -> memref<2x16384xf32, #tpu.memory_space<hbm>>
      tpu.wait_dma2 semaphore(%arg13 : memref<!tpu.dma_semaphore, #tpu.memory_space<semaphore_mem>>) src(%arg7 : memref<2x16384xf32, #tpu.memory_space<vmem>>) dst(%dma_wait3A_219 : memref<2x16384xf32, #tpu.memory_space<hbm>>)
      %add3A_220 = arith.constant 2 : i32
      %add3A_221 = arith.addi %add3A_198, %add3A_220 : i32
      %mul3A_222 = arith.constant 8 : i32
      %mul3A_223 = arith.muli %add3A_221, %mul3A_222 : i32
      %dma_start3A_224 = tpu.memref_slice %arg6[%mul3A_223] : memref<256xi32, #tpu.memory_space<vmem>> -> memref<2xi32, #tpu.memory_space<vmem>>
      %dma_start3A_225 = arith.constant 0 : i32
      %dma_start3A_226 = arith.constant 0 : i32
      %dma_start3A_227 = tpu.memref_slice %arg2[%dma_start3A_225, %dma_start3A_226] : memref<6400x16384xf32, #tpu.memory_space<hbm>> -> memref<6400x16384xf32, #tpu.memory_space<hbm>>
      tpu.enqueue_indirect_dma source(%dma_start3A_227 : memref<6400x16384xf32, #tpu.memory_space<hbm>>) target(%arg7 : memref<2x16384xf32, #tpu.memory_space<vmem>>) offsets(%dma_start3A_224 : memref<2xi32, #tpu.memory_space<vmem>>) semaphore(%arg10 : memref<!tpu.dma_semaphore, #tpu.memory_space<semaphore_mem>>)
      %mul3A_228 = arith.constant 3 : i32
      %mul3A_229 = arith.muli %scan3A_171, %mul3A_228 : i32
      %add3A_230 = arith.constant 2 : i32
      %add3A_231 = arith.addi %mul3A_229, %add3A_230 : i32
      %mul3A_232 = arith.constant 8 : i32
      %mul3A_233 = arith.muli %add3A_231, %mul3A_232 : i32
      %dma_wait3A_234 = tpu.memref_slice %arg6[%mul3A_233] : memref<256xi32, #tpu.memory_space<vmem>> -> memref<2xi32, #tpu.memory_space<vmem>>
      %dma_wait3A_235 = arith.constant 0 : i32
      %dma_wait3A_236 = arith.constant 0 : i32
      %dma_wait3A_237 = tpu.memref_slice %arg2[%dma_wait3A_235, %dma_wait3A_236] : memref<6400x16384xf32, #tpu.memory_space<hbm>> -> memref<6400x16384xf32, #tpu.memory_space<hbm>>
      tpu.wait_indirect_dma semaphore(%arg12 : memref<!tpu.dma_semaphore, #tpu.memory_space<semaphore_mem>>) src(%dma_wait3A_237 : memref<6400x16384xf32, #tpu.memory_space<hbm>>) dst(%arg9 : memref<2x16384xf32, #tpu.memory_space<vmem>>)
      %mul3A_238 = arith.constant 2 : i32
      %mul3A_239 = arith.muli %add3A_231, %mul3A_238 : i32
      %add3A_240 = arith.addi %mul3A_2, %mul3A_239 : i32
      %dma_start3A_241 = arith.constant 0 : i32
      %dma_start3A_242 = tpu.memref_slice %arg4[%add3A_240, %dma_start3A_241] : memref<1664x16384xf32, #tpu.memory_space<hbm>> -> memref<2x16384xf32, #tpu.memory_space<hbm>>
      %dma_start3A_243 = arith.constant 0 : i32
      %dma_start3A_244 = tpu.memref_slice %arg4[%add3A_240, %dma_start3A_243] : memref<1664x16384xf32, #tpu.memory_space<hbm>> -> memref<2x16384xf32, #tpu.memory_space<hbm>>
      tpu.enqueue_dma source(%arg9 : memref<2x16384xf32, #tpu.memory_space<vmem>>) target(%dma_start3A_244 : memref<2x16384xf32, #tpu.memory_space<hbm>>) target_semaphore(%arg15 : memref<!tpu.dma_semaphore, #tpu.memory_space<semaphore_mem>>)
      %sub3A_245 = arith.constant 1 : i32
      %sub3A_246 = arith.subi %add3A_231, %sub3A_245 : i32
      %mul3A_247 = arith.constant 2 : i32
      %mul3A_248 = arith.muli %sub3A_246, %mul3A_247 : i32
      %add3A_249 = arith.addi %mul3A_2, %mul3A_248 : i32
      %dma_wait3A_250 = arith.constant 0 : i32
      %dma_wait3A_251 = tpu.memref_slice %arg4[%add3A_249, %dma_wait3A_250] : memref<1664x16384xf32, #tpu.memory_space<hbm>> -> memref<2x16384xf32, #tpu.memory_space<hbm>>
      %dma_wait3A_252 = arith.constant 0 : i32
      %dma_wait3A_253 = tpu.memref_slice %arg4[%add3A_249, %dma_wait3A_252] : memref<1664x16384xf32, #tpu.memory_space<hbm>> -> memref<2x16384xf32, #tpu.memory_space<hbm>>
      tpu.wait_dma2 semaphore(%arg14 : memref<!tpu.dma_semaphore, #tpu.memory_space<semaphore_mem>>) src(%arg8 : memref<2x16384xf32, #tpu.memory_space<vmem>>) dst(%dma_wait3A_253 : memref<2x16384xf32, #tpu.memory_space<hbm>>)
      %add3A_254 = arith.constant 2 : i32
      %add3A_255 = arith.addi %add3A_231, %add3A_254 : i32
      %mul3A_256 = arith.constant 8 : i32
      %mul3A_257 = arith.muli %add3A_255, %mul3A_256 : i32
      %dma_start3A_258 = tpu.memref_slice %arg6[%mul3A_257] : memref<256xi32, #tpu.memory_space<vmem>> -> memref<2xi32, #tpu.memory_space<vmem>>
      %dma_start3A_259 = arith.constant 0 : i32
      %dma_start3A_260 = arith.constant 0 : i32
      %dma_start3A_261 = tpu.memref_slice %arg2[%dma_start3A_259, %dma_start3A_260] : memref<6400x16384xf32, #tpu.memory_space<hbm>> -> memref<6400x16384xf32, #tpu.memory_space<hbm>>
      tpu.enqueue_indirect_dma source(%dma_start3A_261 : memref<6400x16384xf32, #tpu.memory_space<hbm>>) target(%arg8 : memref<2x16384xf32, #tpu.memory_space<vmem>>) offsets(%dma_start3A_258 : memref<2xi32, #tpu.memory_space<vmem>>) semaphore(%arg11 : memref<!tpu.dma_semaphore, #tpu.memory_space<semaphore_mem>>)
    }
    %scan3A_131 = arith.constant 8 : i32
    %dma_wait3A = arith.constant 192 : i32
    %dma_wait3A_132 = tpu.memref_slice %arg6[%dma_wait3A] : memref<256xi32, #tpu.memory_space<vmem>> -> memref<2xi32, #tpu.memory_space<vmem>>
    %dma_wait3A_133 = arith.constant 0 : i32
    %dma_wait3A_134 = arith.constant 0 : i32
    %dma_wait3A_135 = tpu.memref_slice %arg2[%dma_wait3A_133, %dma_wait3A_134] : memref<6400x16384xf32, #tpu.memory_space<hbm>> -> memref<6400x16384xf32, #tpu.memory_space<hbm>>
    tpu.wait_indirect_dma semaphore(%arg10 : memref<!tpu.dma_semaphore, #tpu.memory_space<semaphore_mem>>) src(%dma_wait3A_135 : memref<6400x16384xf32, #tpu.memory_space<hbm>>) dst(%arg7 : memref<2x16384xf32, #tpu.memory_space<vmem>>)
    %add3A_136 = arith.constant 48 : i32
    %add3A_137 = arith.addi %mul3A_2, %add3A_136 : i32
    %dma_start3A_138 = arith.constant 0 : i32
    %dma_start3A_139 = tpu.memref_slice %arg4[%add3A_137, %dma_start3A_138] : memref<1664x16384xf32, #tpu.memory_space<hbm>> -> memref<2x16384xf32, #tpu.memory_space<hbm>>
    %dma_start3A_140 = arith.constant 0 : i32
    %dma_start3A_141 = tpu.memref_slice %arg4[%add3A_137, %dma_start3A_140] : memref<1664x16384xf32, #tpu.memory_space<hbm>> -> memref<2x16384xf32, #tpu.memory_space<hbm>>
    tpu.enqueue_dma source(%arg7 : memref<2x16384xf32, #tpu.memory_space<vmem>>) target(%dma_start3A_141 : memref<2x16384xf32, #tpu.memory_space<hbm>>) target_semaphore(%arg13 : memref<!tpu.dma_semaphore, #tpu.memory_space<semaphore_mem>>)
    %dma_wait3A_142 = arith.constant 200 : i32
    %dma_wait3A_143 = tpu.memref_slice %arg6[%dma_wait3A_142] : memref<256xi32, #tpu.memory_space<vmem>> -> memref<2xi32, #tpu.memory_space<vmem>>
    %dma_wait3A_144 = arith.constant 0 : i32
    %dma_wait3A_145 = arith.constant 0 : i32
    %dma_wait3A_146 = tpu.memref_slice %arg2[%dma_wait3A_144, %dma_wait3A_145] : memref<6400x16384xf32, #tpu.memory_space<hbm>> -> memref<6400x16384xf32, #tpu.memory_space<hbm>>
    tpu.wait_indirect_dma semaphore(%arg11 : memref<!tpu.dma_semaphore, #tpu.memory_space<semaphore_mem>>) src(%dma_wait3A_146 : memref<6400x16384xf32, #tpu.memory_space<hbm>>) dst(%arg8 : memref<2x16384xf32, #tpu.memory_space<vmem>>)
    %add3A_147 = arith.constant 50 : i32
    %add3A_148 = arith.addi %mul3A_2, %add3A_147 : i32
    %dma_start3A_149 = arith.constant 0 : i32
    %dma_start3A_150 = tpu.memref_slice %arg4[%add3A_148, %dma_start3A_149] : memref<1664x16384xf32, #tpu.memory_space<hbm>> -> memref<2x16384xf32, #tpu.memory_space<hbm>>
    %dma_start3A_151 = arith.constant 0 : i32
    %dma_start3A_152 = tpu.memref_slice %arg4[%add3A_148, %dma_start3A_151] : memref<1664x16384xf32, #tpu.memory_space<hbm>> -> memref<2x16384xf32, #tpu.memory_space<hbm>>
    tpu.enqueue_dma source(%arg8 : memref<2x16384xf32, #tpu.memory_space<vmem>>) target(%dma_start3A_152 : memref<2x16384xf32, #tpu.memory_space<hbm>>) target_semaphore(%arg14 : memref<!tpu.dma_semaphore, #tpu.memory_space<semaphore_mem>>)
    %add3A_153 = arith.constant 46 : i32
    %add3A_154 = arith.addi %mul3A_2, %add3A_153 : i32
    %dma_wait3A_155 = arith.constant 0 : i32
    %dma_wait3A_156 = tpu.memref_slice %arg4[%add3A_154, %dma_wait3A_155] : memref<1664x16384xf32, #tpu.memory_space<hbm>> -> memref<2x16384xf32, #tpu.memory_space<hbm>>
    %dma_wait3A_157 = arith.constant 0 : i32
    %dma_wait3A_158 = tpu.memref_slice %arg4[%add3A_154, %dma_wait3A_157] : memref<1664x16384xf32, #tpu.memory_space<hbm>> -> memref<2x16384xf32, #tpu.memory_space<hbm>>
    tpu.wait_dma2 semaphore(%arg15 : memref<!tpu.dma_semaphore, #tpu.memory_space<semaphore_mem>>) src(%arg9 : memref<2x16384xf32, #tpu.memory_space<vmem>>) dst(%dma_wait3A_158 : memref<2x16384xf32, #tpu.memory_space<hbm>>)
    %add3A_159 = arith.constant 48 : i32
    %add3A_160 = arith.addi %mul3A_2, %add3A_159 : i32
    %dma_wait3A_161 = arith.constant 0 : i32
    %dma_wait3A_162 = tpu.memref_slice %arg4[%add3A_160, %dma_wait3A_161] : memref<1664x16384xf32, #tpu.memory_space<hbm>> -> memref<2x16384xf32, #tpu.memory_space<hbm>>
    %dma_wait3A_163 = arith.constant 0 : i32
    %dma_wait3A_164 = tpu.memref_slice %arg4[%add3A_160, %dma_wait3A_163] : memref<1664x16384xf32, #tpu.memory_space<hbm>> -> memref<2x16384xf32, #tpu.memory_space<hbm>>
    tpu.wait_dma2 semaphore(%arg13 : memref<!tpu.dma_semaphore, #tpu.memory_space<semaphore_mem>>) src(%arg7 : memref<2x16384xf32, #tpu.memory_space<vmem>>) dst(%dma_wait3A_164 : memref<2x16384xf32, #tpu.memory_space<hbm>>)
    %add3A_165 = arith.constant 50 : i32
    %add3A_166 = arith.addi %mul3A_2, %add3A_165 : i32
    %dma_wait3A_167 = arith.constant 0 : i32
    %dma_wait3A_168 = tpu.memref_slice %arg4[%add3A_166, %dma_wait3A_167] : memref<1664x16384xf32, #tpu.memory_space<hbm>> -> memref<2x16384xf32, #tpu.memory_space<hbm>>
    %dma_wait3A_169 = arith.constant 0 : i32
    %dma_wait3A_170 = tpu.memref_slice %arg4[%add3A_166, %dma_wait3A_169] : memref<1664x16384xf32, #tpu.memory_space<hbm>> -> memref<2x16384xf32, #tpu.memory_space<hbm>>
    tpu.wait_dma2 semaphore(%arg14 : memref<!tpu.dma_semaphore, #tpu.memory_space<semaphore_mem>>) src(%arg8 : memref<2x16384xf32, #tpu.memory_space<vmem>>) dst(%dma_wait3A_170 : memref<2x16384xf32, #tpu.memory_space<hbm>>)
    return
  }
}

</mosaic_0001>

<sc_bundles>
// kernel: kernel.3.cloned.1.call-start
scs
__scs_entry_jumppad:
0x0: {  	(pc) =	sbr.rel $0x88, $3  }
0x1: {  	(tag) =	ssettag $0x0;
	lr =	simm.s32 $0x1  }
0x2: {  	[smem:$0x3F9F] =	sst lr;
	_ =	strace $0xD0000000  }
0x3: {  	_ = 	snop  }
0x4: {  	_ = 	snop  }
0x5: {  	_ = 	snop  }
0x6: {  	_ = 	snop  }
0x7: {  	_ = 	snop  }
__scs_overlays_trampoline_lowered:
0x8: {  	[smem:$0x3FAE] =	sst s0  }
0x9: {  	[smem:$0x3FAF] =	sst s1  }
0xa: {  	[smem:$0x3FB0] =	sst s2  }
0xb: {  	[smem:$0x3FB1] =	sst s3  }
0xc: {  	[smem:$0x3FB2] =	sst s4  }
0xd: {  	[smem:$0x3FB3] =	sst s5  }
0xe: {  	[smem:$0x3FB4] =	sst s6  }
0xf: {  	[smem:$0x3FB5] =	sst s7  }
0x10: {  	[smem:$0x3FB6] =	sst s8  }
0x11: {  	[smem:$0x3FB7] =	sst s9;
	s0 =	simm.s32 @!p0 $0x0  }
0x12: {  	s1 =	sld [smem:$0x3F9D];
	s0 =	simm.s32 @p0 $0x1  }
0x13: {  	[smem:$0x3FB8] =	sst s0;
	s0 =	simm.s32 @!p1 $0x0  }
0x14: {  	s2 =	sld [smem:$0x3F9C];
	s0 =	simm.s32 @p1 $0x1  }
0x15: {  	[smem:$0x3FB9] =	sst s0;
	s0 =	simm.s32 @!p2 $0x0  }
0x16: {  	s3 =	sld [smem:$0x3FDB];
	s0 =	simm.s32 @p2 $0x1  }
0x17: {  	s4 =	simm.s32 $0x1BF5;
	[smem:$0x3FBB] =	sst s0  }
0x18: {  	s0 =	sld [smem:$0x3F9E];
	_ =	swait.ge [sflag:s4], $0x0  }
0x19: {  	s7 =	sld [smem:$0x3F9F]  }
0x1a: {  	s8 =	sadd.s32 $0xFFFFE003, lr  }
0x1b: {  	s9 =	sadd.s32 $0xFFFFFEF7, lr;
	s5 =	simm.s32 $0xFFFFFFFF;
	p2 =	slt.u32 s8, $0xFFFFF086  }
0x1c: {  	p1 =	slt.u32 s9, $0xF7A;
	s5 =	simm.s32 @!p2 $0x0  }
0x1d: {  	s5 =	simm.s32 @p1 $0x1;
	p0 =	seq.s32 s7, s2  }
0x1e: {  	s7 =	smul.u32 @!p0 $0xF7A, s2;
	p2 =	seq.s32 @!p0 s5, $0x0  }
0x1f: {  	s9 =	smul.u32 $0xF7A, s1;
	s8 =	simm.s32 @!p0 $0x1BF5;
	p2 =	por !p2, p0  }
0x20: {  	[sflag:s8] =	ssyncset.s32 @!p0 $0xFFFFF086;
	s6 =	sadd.s32 @!p0 s3, s7;
	s7 =	simm.s32 @!p0 $0x108  }
0x21: {  	s3 =	sadd.s32 s3, s9;
	s6 =	sadd.s32 @!p0 $0x88, s6;
	s7 =	simm.s32 @p2 $0x1082  }
0x22: {  	[simem:s7], [sflag:s8] =	dma.local @!p0 [hbm:s6], $0xF7A  }
0x23: {  	s9 =	sor.u32 $0xD0000000, s2;
	s6 =	simm.s32 $0x108;
	_ =	swait.ge @!p0 [sflag:s8], $0x0  }
0x24: {  	s3 =	sadd.s32 $0x88, s3;
	s6 =	simm.s32 @!p1 $0x1082;
	[sflag:s4] =	ssyncset.s32 $0xFFFFF086  }
0x25: {  	[simem:s6], [sflag:s4] =	dma.local [hbm:s3], $0xF7A  }
0x26: {  	[smem:$0x3F9F] =	sst s1;
	(tag) =	ssettag s2;
	_ =	strace s9  }
0x27: {  	s1 =	sld [smem:$0x3FAF]  }
0x28: {  	s2 =	sld [smem:$0x3FB0]  }
0x29: {  	s4 =	sld [smem:$0x3FB2]  }
0x2a: {  	p0 =	seq.s32 s5, $0x0;
	s5 =	sld [smem:$0x3FB3]  }
0x2b: {  	s6 =	sld [smem:$0x3FB4]  }
0x2c: {  	s7 =	sld [smem:$0x3FB5]  }
0x2d: {  	s3 =	simm.s32 $0x108;
	s8 =	sld [smem:$0x3FB6]  }
0x2e: {  	s3 =	simm.s32 @!p0 $0x1082;
	s9 =	sld [smem:$0x3FB7]  }
0x2f: {  	lr =	sadd.s32 s0, s3;
	s0 =	sld [smem:$0x3FAE]  }
0x30: {  	s3 =	sld [smem:$0x3FB1]  }
0x31: {  	[smem:$0x3FBA] =	sst s10  }
0x32: {  	s10 =	sld [smem:$0x3FB8];
	_ =	sdelay $0x3  }
0x33: {  	p0 =	seq.s32 s10, $0x1;
	s10 =	sld [smem:$0x3FBA];
	_ =	sdelay $0x3  }
0x34: {  	[smem:$0x3FBA] =	sst s10  }
0x35: {  	s10 =	sld [smem:$0x3FB9];
	_ =	sdelay $0x3  }
0x36: {  	p1 =	seq.s32 s10, $0x1;
	s10 =	sld [smem:$0x3FBA];
	_ =	sdelay $0x3  }
0x37: {  	[smem:$0x3FBA] =	sst s10  }
0x38: {  	s10 =	sld [smem:$0x3FBB]  }
0x39: {  	_ = 	snop;
	(pc) =	sbr.ind lr, $3  }
0x3a: {  	_ = 	snop  }
0x3b: {  	_ = 	snop  }
0x3c: {  	p2 =	seq.s32 s10, $0x1;
	s10 =	sld [smem:$0x3FBA]  }
0x3d: {  	_ =	shalt  }
0x3e: {  	_ =	shalt  }
0x3f: {  	_ =	shalt  }
0x40: {  	_ =	shalt  }
0x41: {  	_ =	shalt  }
0x42: {  	_ =	shalt  }
0x43: {  	_ =	shalt  }
0x44: {  	_ =	shalt  }
0x45: {  	_ =	shalt  }
0x46: {  	_ =	shalt  }
0x47: {  	_ =	shalt  }
0x48: {  	_ =	shalt  }
0x49: {  	_ =	shalt  }
0x4a: {  	_ =	shalt  }
0x4b: {  	_ =	shalt  }
0x4c: {  	_ =	shalt  }
0x4d: {  	_ =	shalt  }
0x4e: {  	_ =	shalt  }
0x4f: {  	_ =	shalt  }
0x50: {  	_ =	shalt  }
0x51: {  	_ =	shalt  }
0x52: {  	_ =	shalt  }
0x53: {  	_ =	shalt  }
0x54: {  	_ =	shalt  }
0x55: {  	_ =	shalt  }
0x56: {  	_ =	shalt  }
0x57: {  	_ =	shalt  }
0x58: {  	_ =	shalt  }
0x59: {  	_ =	shalt  }
0x5a: {  	_ =	shalt  }
0x5b: {  	_ =	shalt  }
0x5c: {  	_ =	shalt  }
0x5d: {  	_ =	shalt  }
0x5e: {  	_ =	shalt  }
0x5f: {  	_ =	shalt  }
0x60: {  	_ =	shalt  }
0x61: {  	_ =	shalt  }
0x62: {  	_ =	shalt  }
0x63: {  	_ =	shalt  }
0x64: {  	_ =	shalt  }
0x65: {  	_ =	shalt  }
0x66: {  	_ =	shalt  }
0x67: {  	_ =	shalt  }
0x68: {  	_ =	shalt  }
0x69: {  	_ =	shalt  }
0x6a: {  	_ =	shalt  }
0x6b: {  	_ =	shalt  }
0x6c: {  	_ =	shalt  }
0x6d: {  	_ =	shalt  }
0x6e: {  	_ =	shalt  }
0x6f: {  	_ =	shalt  }
0x70: {  	_ =	shalt  }
0x71: {  	_ =	shalt  }
0x72: {  	_ =	shalt  }
0x73: {  	_ =	shalt  }
0x74: {  	_ =	shalt  }
0x75: {  	_ =	shalt  }
0x76: {  	_ =	shalt  }
0x77: {  	_ =	shalt  }
0x78: {  	_ =	shalt  }
0x79: {  	_ =	shalt  }
0x7a: {  	_ =	shalt  }
0x7b: {  	_ =	shalt  }
0x7c: {  	_ =	shalt  }
0x7d: {  	_ =	shalt  }
0x7e: {  	_ =	shalt  }
0x7f: {  	_ =	shalt  }
0x80: {  	_ =	shalt  }
0x81: {  	_ =	shalt  }
0x82: {  	_ =	shalt  }
0x83: {  	_ =	shalt  }
0x84: {  	_ =	shalt  }
0x85: {  	_ =	shalt  }
0x86: {  	_ =	shalt  }
0x87: {  	_ =	shalt  }
.Lfunc_end0:
.L_simem_size_0:
called_computation_lowered:
.L_overlay_start_0:
0x88: {  	s2 =	sld [smem:$0x3FD9]  }
0x89: {  	s3 =	sld [smem:$0x3FFE];
	_ =	sdelay $0x1  }
0x8a: {  	s1 =	srdreg.scid  }
0x8b: {  	s0 =	sand.u32 $0x1, s1  }
0x8c: {  	s17 =	sshll.u32 s0, $0xA;
	s2 =	sadd.s32 s3, s2  }
0x8d: {  	s2 =	sadd.s32 s2, s17  }
0x8e: {  	[smem:$0x3FC6] =	sst s2  }
0x8f: {  	_ = 	snop  }
0x90: {  	s2 =	sld [smem:$0x3FC9]  }
0x91: {  	s18 =	sld [smem:$0x3FD0];
	(tm) =	ssettm $0x1  }
0x92: {  	s4 =	sld [smem:$0x3FFB];
	_ =	sdelay $0x3  }
0x93: {  	_ =	strace s4  }
0x94: {  	s4 =	sld [smem:$0x3FFC];
	_ =	sdelay $0x3  }
0x95: {  	_ =	strace s4  }
0x96: {  	s4 =	sld [smem:$0x3FFD];
	_ =	sdelay $0x3  }
0x97: {  	_ =	strace s4  }
0x98: {  	_ =	strace $0x8FFFFFFF  }
0x99: {  	s19 =	sld [smem:$0x3FDB];
	_ =	sdelay $0x1  }
0x9a: {  	s5 =	simm.s32 $_scs_section_size  }
0x9b: {  	s6 =	simm.s32 $_size__tile_overlayer_lowered;
	s7 =	simm.s32 $_tile_overlayer_lowered  }
0x9c: {  	s22 =	simm.s32 $0x1BFF;
	s21 =	sshll.u32 s7, $0x1;
	s4 =	sadd.s32 s5, s19  }
0x9d: {  	s8 =	simm.s32 $0x0;
	s20 =	sshll.u32 s6, $0x1;
	s6 =	sadd.s32 s21, s4  }
0x9e: {  	[timem:s8], [sflag:s22] =	dma.local [hbm:s6], s20  }
0x9f: {  	_ =	swait.ge [sflag:s22], s20  }
0xa0: {  	s5 =	ssub.s32 $0x0, s20;
	[sflag:s22] =	ssyncset.done $0x0  }
0xa1: {  	[sflag:s22] =	ssyncadd.s32 s5;
	_ =	sdelay $0x1  }
0xa2: {  	s23 =	simm.s32 $0x1B8B  }
0xa3: {  	_ =	swait.ge [sflag:s23], $0x1  }
0xa4: {  	[sflag:s23] =	ssyncset.done $0x0  }
0xa5: {  	s25 =	simm.s32 $0x1B8E;
	s24 =	sld [smem:$0x3FFE];
	[sflag:s23] =	ssyncadd.s32 $0xFFFFFFFF  }
0xa6: {  	s26 =	simm.s32 $execute0_lowered;
	[smem:$0x3FD2] =	sst s25  }
0xa7: {  	s6 =	sshll.u32 s26, $0x1;
	_ =	strace $0x80000046;
	[dreg:$0x1] =	wrdreg $0xFFFFFFFF  }
0xa8: {  	s28 =	simm.s32 $_size_execute0_lowered;
	s4 =	sadd.s32 s4, s6;
	[dreg:$0x0] =	wrdreg $0x0  }
0xa9: {  	s6 =	sshll.u32 s28, $0x1;
	[dreg:$0x2] =	wrdreg s4  }
0xaa: {  	[dreg:$0x3] =	wrdreg s6  }
0xab: {  	[dreg:$0x4] =	wrdreg $0xC0  }
0xac: {  	_ =	task [dreg:s8], $0x5FFFF  }
0xad: {  	[dreg:$0x1] =	wrdreg $0xFFFFFFFF  }
0xae: {  	[dreg:$0x0] =	wrdreg $0x60  }
0xaf: {  	[dreg:$0x2] =	wrdreg s2  }
0xb0: {  	[dreg:$0x3] =	wrdreg s24  }
0xb1: {  	[dreg:$0x4] =	wrdreg s18  }
0xb2: {  	[dreg:$0x5] =	wrdreg $0x9  }
0xb3: {  	_ =	task.clear_ibuf [dreg:s8], $0x6FFFF;
	_ =	strace $0x90000046  }
0xb4: {  	s29 =	simm.s32 $0x9;
	_ =	strace $0x80000048  }
0xb5: {  	_ =	swait.ge [sflag:s29], $0x1  }
0xb6: {  	[sflag:s29] =	ssyncadd.s32 $0xFFFFFFFF  }
0xb7: {  	_ =	strace $0x90000048  }
0xb8: {  	_ =	sfence  }
0xb9: {  	s30 =	sld [smem:$0x0];
	_ =	sdelay $0x2  }
0xba: {  	s31 =	sshll.u32 s1, $0xD;
	s1 =	sshrl.u32 s1, $0x2  }
0xbb: {  	s3 =	sand.u32 $0x4000, s31;
	s1 =	sadd.s32 s1, s30  }
0xbc: {  	s0 =	sor.u32 s3, s0;
	s1 =	sshll.u32 s1, $0x11  }
0xbd: {  	s0 =	sor.u32 s1, s0  }
0xbe: {  	s0 =	sadd.s32 $0x8F2B, s0  }
0xbf: {  	[sflag:s0] =	ssyncadd.remote.s32 $0x1  }
0xc0: {  	_ =	sfence.sel $0xFFFF  }
0xc1: {  	[dreg:$0x0] =	wrdreg $0xFFFFFFFF;
	(pc) =	sbr.abs _section_cstart, $3  }
0xc2: {  	[dreg:$0x1] =	wrdreg $0xFFFFFFFF  }
0xc3: {  	_ =	task.clear_ibuf [dreg:s8], $0x2FFFF;
	_ =	strace $0x9FFFFFFF  }
0xc4: {  	(tm) =	ssettm $0x7FFFFFFF  }
0xc5: {  	_ =	shalt  }
tec
execute0_lowered:
.L_overlay_start_1:
0x0: {  	(tag) =	ssettag $0x1  }
0x1: {  	s25 =	rddreg [dreg:$0x0]  }
0x2: {  	s0 =	rddreg [dreg:$0x1];
	s2 =	srdreg.scid  }
0x3: {  	s3 =	stileid.u32;
	s23 =	rddreg [dreg:$0x2];
	s4 =	simm.s32 $0x0  }
0x4: {  	s1 =	simm.s32 $0x10980;
	s28 =	simm.s32 $0x3180;
	s29 =	simm.s32 $0x400  }
0x5: {  	s31 =	simm.s32 $0x100;
	s30 =	simm.s32 $0x10180;
	s5 =	sand.u32 $0x1, s2  }
0x6: {  	s22 =	sshll.u32 s3, $0x1;
	[smem:$0x7FF] =	sst s4;
	s0 =	sadd.s32 $0x400, s0  }
0x7: {  	s7 =	sadd.s32 $0x800, s25;
	s8 =	sadd.s32 $0xC00, s25;
	s9 =	sadd.s32 $0x1000, s25  }
0x8: {  	s10 =	sadd.s32 $0x1400, s25;
	s11 =	sadd.s32 $0x1800, s25;
	s18 =	smul.u32 $0x680, s3  }
0x9: {  	s12 =	sadd.s32 $0x1C00, s25;
	s13 =	sadd.s32 $0x2000, s25;
	s14 =	sadd.s32 $0x2400, s25  }
0xa: {  	s15 =	sadd.s32 $0x2800, s25;
	s2 =	sor.u32 s5, s22;
	s6 =	ssub.s32 $0x2, s5  }
0xb: {  	_ =	strace $0x80000047;
	[dreg:$0x14] =	wrdreg s0;
	s19 =	smul.u32 $0x340, s5  }
0xc: {  	s22 =	sshll.u32 s5, $0x6;
	[dreg:$0x5] =	wrdreg s1;
	s5 =	smul.u32 $0x1A000, s5  }
0xd: {  	s1 =	simm.s32 $0x12180;
	s16 =	smul.u32 $0x34, s2;
	s24 =	sshrl.u32 s6, $0x1  }
0xe: {  	v0 =	vimm.s32 $0x29282120;
	s26 =	sadd.s32 s23, s22;
	s22 =	simm.s32 $0x11180;
	[dreg:$0x8] =	wrdreg s1  }
0xf: {  	v12 =	vlaneseq.u32;
	v5 =	vimm.s32 $0x19181110;
	v9 =	vimm.s32 $0x49484140;
	s1 =	simm.s32 $0x14180;
	s0 =	ssub.s32 s6, s24;
	[dreg:$0x6] =	wrdreg s22  }
0x10: {  	vm0 =	vcmask $0x1F10;
	v10 =	vimm.s32 $0x59585150;
	v11 =	vimm.s32 $0xA9A8A1A0;
	s6 =	sadd.s32 $0x400, s25;
	s18 =	sadd.s32 s19, s18;
	[dreg:$0xc] =	wrdreg s1  }
0x11: {  	v2 =	vunpack.c.0.s8.s32 v0;
	v0 =	vimm.s32 $0x39383130;
	v9 =	vunpack.c.0.s8.s32 v9;
	s24 =	simm.s32 $0x11980;
	s22 =	simm.s32 $0x12980;
	[dreg:$0x4] =	wrdreg s18  }
0x12: {  	v10 =	vunpack.c.0.s8.s32 v10;
	v3 =	vunpack.c.0.s8.s32 v0;
	v0 =	vimm.s32 $0x9080100;
	s1 =	simm.s32 $0x15980;
	s17 =	sadd.s32 $0x10, s16;
	[dreg:$0x7] =	wrdreg s24  }
0x13: {  	v13 =	vimm.s32 $0xB9B8B1B0;
	v5 =	vunpack.c.0.s8.s32 v5;
	v7 =	vunpack.c.0.s8.s32 v0;
	s20 =	sadd.s32 $0x20, s16;
	s2 =	sadd.s32 $0x30, s16;
	[dreg:$0x9] =	wrdreg s22  }
0x14: {  	v9 =	vsel vm0, v10, v9;
	v2 =	vsel vm0, v3, v2;
	s24 =	simm.s32 $0x13180;
	s18 =	sadd.s32 $0x2C00, s25;
	v1 =	vadd.s32 s16, v12;
	[dreg:$0xf] =	wrdreg s1  }
0x15: {  	s22 =	sadd.s32 $0x3800, s25;
	s0 =	smax.u32 s0, $0x1;
	v3 =	vsel vm0, v5, v7;
	v5 =	vimm.s32 $0x69686160;
	v7 =	vimm.s32 $0x79787170;
	s1 =	simm.s32 $0x180  }
0x16: {  	s21 =	sshll.u32 s2, $0xB;
	[dreg:$0xa] =	wrdreg s24;
	s24 =	simm.s32 $0x14980;
	v4 =	vadd.s32 s17, v12;
	v5 =	vunpack.c.0.s8.s32 v5;
	v7 =	vunpack.c.0.s8.s32 v7  }
0x17: {  	v6 =	vadd.s32 s20, v12;
	s20 =	sadd.s32 $0x3400, s25;
	s17 =	simm.s32 $0x16180;
	v0 =	vshrl.u32 v1, $0x6;
	v8 =	vadd.s32 s2, v12;
	[dreg:$0x18] =	wrdreg s0  }
0x18: {  	v2 =	vcombine.low v3, v2;
	v3 =	vimm.s32 $0x89888180;
	s0 =	simm.s32 $0x0;
	s21 =	sand.u32 $0x7FC000, s21;
	[dreg:$0xd] =	wrdreg s24;
	v14 =	vsel vm0, v7, v5  }
0x19: {  	[dreg:$0x10] =	wrdreg s17;
	s24 =	simm.s32 $0x17180;
	s19 =	sadd.s32 s21, s26;
	v5 =	vunpack.c.0.s8.s32 v11;
	v7 =	vimm.s32 $0x99989190;
	v11 =	vunpack.c.0.s8.s32 v13  }
0x1a: {  	v1 =	vand.u32 $0x3F, v1;
	s17 =	simm.s32 $0x2180;
	v3 =	vunpack.c.0.s8.s32 v3;
	[dreg:$0x15] =	wrdreg s19;
	s19 =	sadd.s32 $0x32, s16;
	v7 =	vunpack.c.0.s8.s32 v7  }
0x1b: {  	[dreg:$0x12] =	wrdreg s24;
	v13 =	vimm.s32 $0xE9E8E1E0;
	v9 =	vcombine.low v9, v14;
	s26 =	sshll.u32 s19, $0xB;
	s19 =	sshll.u32 s19, $0x4;
	v5 =	vsel vm0, v11, v5  }
0x1c: {  	s24 =	simm.s32 $0x8980;
	s16 =	simm.s32 $0x1980;
	v11 =	vunpack.c.0.s8.s32 v13;
	v13 =	vimm.s32 $0xD9D8D1D0;
	s19 =	sand.u32 $0x60, s19;
	v3 =	vsel vm0, v7, v3  }
0x1d: {  	s21 =	sand.u32 $0x7FC000, s26;
	s26 =	simm.s32 $0x13980;
	v7 =	vimm.s32 $0xF9F8F1F0;
	s19 =	sadd.s32 s23, s19;
	v10 =	vcombine.low v3, v5;
	v5 =	vimm.s32 $0xC9C8C1C0  }
0x1e: {  	v13 =	vunpack.c.0.s8.s32 v13;
	[dreg:$0xb] =	wrdreg s26;
	s23 =	smul.u32 $0x34000, s3;
	s26 =	simm.s32 $0x15180;
	v7 =	vunpack.c.0.s8.s32 v7;
	v15 =	vunpack.c.0.s8.s32 v5  }
0x1f: {  	v3 =	vshrl.u32 v4, $0x6;
	v4 =	vand.u32 $0x3F, v4;
	s21 =	sadd.s32 s21, s19;
	s19 =	sadd.s32 $0x3000, s25;
	[dreg:$0xe] =	wrdreg s26;
	v5 =	vshrl.u32 v6, $0x6  }
0x20: {  	s26 =	simm.s32 $0x17980;
	v6 =	vand.u32 $0x3F, v6;
	[dreg:$0x16] =	wrdreg s21;
	s3 =	sadd.s32 s5, s23;
	v11 =	vsel vm0, v7, v11;
	v13 =	vsel vm0, v13, v15  }
0x21: {  	s21 =	simm.s32 $0x16980;
	s23 =	sadd.s32 $0x3C00, s25;
	[dreg:$0x13] =	wrdreg s26;
	v7 =	vshrl.u32 v8, $0x6;
	v8 =	vand.u32 $0x3F, v8;
	v11 =	vcombine.low v13, v11  }
0x22: {  	s26 =	simm.s32 $0x980;
	s5 =	simm.s32 $0x1180;
	v10 =	vand.u32 $0xFF, v10;
	[dreg:$0x17] =	wrdreg s3;
	vm0 =	vmmov $0xffff;
	v13 =	vshrl.u32 v12, $0x1  }
0x23: {  	[dreg:$0x11] =	wrdreg s21;
	s21 =	simm.s32 $0x2980;
	s3 =	simm.s32 $0x8180;
	v12 =	vand.u32 $0x1, v12;
	v13 =	vmul.u32 $0x8, v13;
	v11 =	vand.u32 $0xFF, v11  }
.LBB2_1:
0x24: {  	[dreg:$0x19] =	wrdreg s0  }
0x25: {  	s2 =	rddreg [dreg:$0x14];
	s0 =	simm.s32 $0x7  }
0x26: {  	[tilespmem:s4], [sflag:$0x7] =	stream.linear.gather [hbm4b:s2+s4], $0x80, $0x38;
	[tilespmem:$0x18180] =	vst v63  }
0x27: {  	_ =	swait.ge [sflag:s0], $0x80  }
0x28: {  	[sflag:s0] =	ssyncset.done $0x0  }
0x29: {  	[sflag:s0] =	ssyncadd.s32 $0xFFFFFF80  }
0x2a: {  	v14 =	vld.idx.msk [tilespmem:v0+s4+$0x0], $0xffff;
	_ =	sdelay $0x4  }
0x2b: {  	v14 =	vshll.u32 v14, $0x6  }
0x2c: {  	s0 =	simm.s32 $0x80;
	v14 =	vor.u32 v1, v14  }
0x2d: {  	[tilespmem:v2+s0+$0x0] =	vst.idx.msk $0xffff, v14  }
0x2e: {  	v14 =	vld.idx.msk [tilespmem:v3+s4+$0x0], $0xffff;
	_ =	sdelay $0x4  }
0x2f: {  	v14 =	vshll.u32 v14, $0x6  }
0x30: {  	v14 =	vor.u32 v4, v14  }
0x31: {  	[tilespmem:v9+s0+$0x0] =	vst.idx.msk $0xffff, v14  }
0x32: {  	v14 =	vld.idx.msk [tilespmem:v5+s4+$0x0], $0xffff;
	_ =	sdelay $0x4  }
0x33: {  	v14 =	vshll.u32 v14, $0x6  }
0x34: {  	v14 =	vor.u32 v6, v14  }
0x35: {  	[tilespmem:v10+s0+$0x0] =	vst.idx.msk $0xffff, v14  }
0x36: {  	v14 =	vld.idx.msk [tilespmem:v7+s4+$0x0], $0xffff;
	_ =	sdelay $0x4  }
0x37: {  	v14 =	vshll.u32 v14, $0x6  }
0x38: {  	v14 =	vor.u32 v8, v14  }
0x39: {  	[tilespmem:v11+s0+$0x0] =	vst.idx.msk $0xffff, v14  }
0x3a: {  	v14 =	vld.msk [tilespmem:$0x80], $0x3;
	_ =	sdelay $0x4  }
0x3b: {  	v15 =	vshll.u32 v14, $0x7  }
0x3c: {  	v14 =	vand.u32 $0x7, v14;
	v15 =	vand.u32 $0xFFFFFC00, v15  }
0x3d: {  	v14 =	vor.u32 v14, v15  }
0x3e: {  	v14 =	vperm.xlane v14, v12;
	_ =	sdelay $0x1  }
0x3f: {  	v14 =	vadd.s32 v13, v14;
	_ =	sdelay $0x4  }
0x40: {  	[tilespmem:s1], [sflag:$0x1] =	stream.indirect_vreg.gather [hbm4b:s25+s4], $0x80, v14, vm0, $0xb8;
	[tilespmem:$0x18180] =	vst v63  }
0x41: {  	_ = 	snop  }
0x42: {  	[tilespmem:s26], [sflag:$0x1] =	stream.indirect_vreg.gather [hbm4b:s6+s4], $0x80, v14, vm0, $0xb8;
	[tilespmem:$0x18180] =	vst v63  }
0x43: {  	_ = 	snop  }
0x44: {  	[tilespmem:s5], [sflag:$0x1] =	stream.indirect_vreg.gather [hbm4b:s7+s4], $0x80, v14, vm0, $0xb8;
	[tilespmem:$0x18180] =	vst v63  }
0x45: {  	_ = 	snop  }
0x46: {  	[tilespmem:s16], [sflag:$0x1] =	stream.indirect_vreg.gather [hbm4b:s8+s4], $0x80, v14, vm0, $0xb8;
	[tilespmem:$0x18180] =	vst v63  }
0x47: {  	_ = 	snop  }
0x48: {  	[tilespmem:s17], [sflag:$0x1] =	stream.indirect_vreg.gather [hbm4b:s9+s4], $0x80, v14, vm0, $0xb8;
	[tilespmem:$0x18180] =	vst v63  }
0x49: {  	_ = 	snop  }
0x4a: {  	[tilespmem:s21], [sflag:$0x1] =	stream.indirect_vreg.gather [hbm4b:s10+s4], $0x80, v14, vm0, $0xb8;
	[tilespmem:$0x18180] =	vst v63  }
0x4b: {  	_ = 	snop  }
0x4c: {  	[tilespmem:s28], [sflag:$0x1] =	stream.indirect_vreg.gather [hbm4b:s11+s4], $0x80, v14, vm0, $0xb8;
	[tilespmem:$0x18180] =	vst v63  }
0x4d: {  	s17 =	simm.s32 $0x3980  }
0x4e: {  	[tilespmem:s17], [sflag:$0x1] =	stream.indirect_vreg.gather [hbm4b:s12+s4], $0x80, v14, vm0, $0xb8;
	[tilespmem:$0x18180] =	vst v63  }
0x4f: {  	s21 =	simm.s32 $0x4180  }
0x50: {  	[tilespmem:s21], [sflag:$0x1] =	stream.indirect_vreg.gather [hbm4b:s13+s4], $0x80, v14, vm0, $0xb8;
	[tilespmem:$0x18180] =	vst v63  }
0x51: {  	s26 =	simm.s32 $0x4980  }
0x52: {  	[tilespmem:s26], [sflag:$0x1] =	stream.indirect_vreg.gather [hbm4b:s14+s4], $0x80, v14, vm0, $0xb8;
	[tilespmem:$0x18180] =	vst v63  }
0x53: {  	s28 =	simm.s32 $0x5180  }
0x54: {  	[tilespmem:s28], [sflag:$0x1] =	stream.indirect_vreg.gather [hbm4b:s15+s4], $0x80, v14, vm0, $0xb8;
	[tilespmem:$0x18180] =	vst v63  }
0x55: {  	s1 =	simm.s32 $0x5980  }
0x56: {  	[tilespmem:s1], [sflag:$0x1] =	stream.indirect_vreg.gather [hbm4b:s18+s4], $0x80, v14, vm0, $0xb8;
	[tilespmem:$0x18180] =	vst v63  }
0x57: {  	s2 =	simm.s32 $0x6180  }
0x58: {  	[tilespmem:s2], [sflag:$0x1] =	stream.indirect_vreg.gather [hbm4b:s19+s4], $0x80, v14, vm0, $0xb8;
	[tilespmem:$0x18180] =	vst v63  }
0x59: {  	s5 =	simm.s32 $0x6980  }
0x5a: {  	[tilespmem:s5], [sflag:$0x1] =	stream.indirect_vreg.gather [hbm4b:s20+s4], $0x80, v14, vm0, $0xb8;
	[tilespmem:$0x18180] =	vst v63  }
0x5b: {  	s16 =	simm.s32 $0x7180  }
0x5c: {  	[tilespmem:s16], [sflag:$0x1] =	stream.indirect_vreg.gather [hbm4b:s22+s4], $0x80, v14, vm0, $0xb8;
	[tilespmem:$0x18180] =	vst v63  }
0x5d: {  	s17 =	simm.s32 $0x7980  }
0x5e: {  	[tilespmem:s17], [sflag:$0x1] =	stream.indirect_vreg.gather [hbm4b:s23+s4], $0x80, v14, vm0, $0xb8;
	[tilespmem:$0x18180] =	vst v63  }
0x5f: {  	v14 =	vld.msk [tilespmem:$0x88], $0x3;
	_ =	sdelay $0x4  }
0x60: {  	v15 =	vshll.u32 v14, $0x7  }
0x61: {  	v14 =	vand.u32 $0x7, v14;
	v15 =	vand.u32 $0xFFFFFC00, v15  }
0x62: {  	v14 =	vor.u32 v14, v15  }
0x63: {  	v14 =	vperm.xlane v14, v12;
	_ =	sdelay $0x1  }
0x64: {  	v14 =	vadd.s32 v13, v14;
	_ =	sdelay $0x4  }
0x65: {  	[tilespmem:s3], [sflag:$0x2] =	stream.indirect_vreg.gather [hbm4b:s25+s4], $0x80, v14, vm0, $0xb8;
	[tilespmem:$0x18180] =	vst v63  }
0x66: {  	_ = 	snop  }
0x67: {  	[tilespmem:s24], [sflag:$0x2] =	stream.indirect_vreg.gather [hbm4b:s6+s4], $0x80, v14, vm0, $0xb8;
	[tilespmem:$0x18180] =	vst v63  }
0x68: {  	s21 =	simm.s32 $0x9180  }
0x69: {  	[tilespmem:s21], [sflag:$0x2] =	stream.indirect_vreg.gather [hbm4b:s7+s4], $0x80, v14, vm0, $0xb8;
	[tilespmem:$0x18180] =	vst v63  }
0x6a: {  	s24 =	simm.s32 $0x9980  }
0x6b: {  	[tilespmem:s24], [sflag:$0x2] =	stream.indirect_vreg.gather [hbm4b:s8+s4], $0x80, v14, vm0, $0xb8;
	[tilespmem:$0x18180] =	vst v63  }
0x6c: {  	s26 =	simm.s32 $0xA180  }
0x6d: {  	[tilespmem:s26], [sflag:$0x2] =	stream.indirect_vreg.gather [hbm4b:s9+s4], $0x80, v14, vm0, $0xb8;
	[tilespmem:$0x18180] =	vst v63  }
0x6e: {  	s28 =	simm.s32 $0xA980  }
0x6f: {  	[tilespmem:s28], [sflag:$0x2] =	stream.indirect_vreg.gather [hbm4b:s10+s4], $0x80, v14, vm0, $0xb8;
	[tilespmem:$0x18180] =	vst v63  }
0x70: {  	s1 =	simm.s32 $0xB180  }
0x71: {  	[tilespmem:s1], [sflag:$0x2] =	stream.indirect_vreg.gather [hbm4b:s11+s4], $0x80, v14, vm0, $0xb8;
	[tilespmem:$0x18180] =	vst v63  }
0x72: {  	s2 =	simm.s32 $0xB980  }
0x73: {  	[tilespmem:s2], [sflag:$0x2] =	stream.indirect_vreg.gather [hbm4b:s12+s4], $0x80, v14, vm0, $0xb8;
	[tilespmem:$0x18180] =	vst v63  }
0x74: {  	s3 =	simm.s32 $0xC180  }
0x75: {  	[tilespmem:s3], [sflag:$0x2] =	stream.indirect_vreg.gather [hbm4b:s13+s4], $0x80, v14, vm0, $0xb8;
	[tilespmem:$0x18180] =	vst v63  }
0x76: {  	s5 =	simm.s32 $0xC980  }
0x77: {  	[tilespmem:s5], [sflag:$0x2] =	stream.indirect_vreg.gather [hbm4b:s14+s4], $0x80, v14, vm0, $0xb8;
	[tilespmem:$0x18180] =	vst v63  }
0x78: {  	s16 =	simm.s32 $0xD180  }
0x79: {  	[tilespmem:s16], [sflag:$0x2] =	stream.indirect_vreg.gather [hbm4b:s15+s4], $0x80, v14, vm0, $0xb8;
	[tilespmem:$0x18180] =	vst v63  }
0x7a: {  	s17 =	simm.s32 $0xD980  }
0x7b: {  	[tilespmem:s17], [sflag:$0x2] =	stream.indirect_vreg.gather [hbm4b:s18+s4], $0x80, v14, vm0, $0xb8;
	[tilespmem:$0x18180] =	vst v63  }
0x7c: {  	s21 =	simm.s32 $0xE180  }
0x7d: {  	[tilespmem:s21], [sflag:$0x2] =	stream.indirect_vreg.gather [hbm4b:s19+s4], $0x80, v14, vm0, $0xb8;
	[tilespmem:$0x18180] =	vst v63  }
0x7e: {  	s0 =	simm.s32 $0x3;
	s24 =	simm.s32 $0xE980;
	s2 =	rddreg [dreg:$0x2]  }
0x7f: {  	[tilespmem:s24], [sflag:$0x2] =	stream.indirect_vreg.gather [hbm4b:s20+s4], $0x80, v14, vm0, $0xb8;
	[tilespmem:$0x18180] =	vst v63  }
0x80: {  	s26 =	simm.s32 $0xF180;
	s28 =	simm.s32 $0xF980;
	s5 =	rddreg [dreg:$0x17]  }
0x81: {  	[tilespmem:s26], [sflag:$0x2] =	stream.indirect_vreg.gather [hbm4b:s22+s4], $0x80, v14, vm0, $0xb8;
	[tilespmem:$0x18180] =	vst v63  }
0x82: {  	s16 =	simm.s32 $0x0;
	s21 =	smov.u32 s25;
	s25 =	simm.s32 $0x1  }
0x83: {  	[tilespmem:s28], [sflag:$0x2] =	stream.indirect_vreg.gather [hbm4b:s23+s4], $0x80, v14, vm0, $0xb8;
	[tilespmem:$0x18180] =	vst v63  }
.LBB2_2:
0x84: {  	_ =	swait.ge [sflag:s25], $0x8000  }
0x85: {  	s17 =	rddreg [dreg:$0x4]  }
0x86: {  	s17 =	sadd.s32 s16, s17  }
0x87: {  	s3 =	sand.u32 $0xFFFC000, s5;
	s28 =	sand.u32 $0x60, s17  }
0x88: {  	s26 =	simm.s32 $0x180;
	[sflag:s25] =	ssyncset.done $0x0;
	s28 =	sadd.s32 s2, s28  }
0x89: {  	p0 =	seq.s32 s16, $0x0;
	[sflag:s25] =	ssyncadd.s32 $0xFFFF8000;
	s3 =	sadd.s32 s3, s28  }
0x8a: {  	[hbm4b:s3+s31] =	stream.strided.scatter [tilespmem:s26], [sflag:$0x4], $0x8000, s29, s31, $0x38;
	[tilespmem:$0x18180] =	vst v63  }
0x8b: {  	s3 =	simm.s32 @!p0 $0x6  }
0x8c: {  	s28 =	sshra.s32 @!p0 s16, $0x2;
	_ =	swait.ge @!p0 [sflag:s3], $0x8000  }
0x8d: {  	s28 =	sadd.s32 @!p0 $0x80, s28;
	[sflag:s3] =	ssyncset.done @!p0 $0x0  }
0x8e: {  	s28 =	simm.s32 @p0 $0x80;
	[sflag:s3] =	ssyncadd.s32 @!p0 $0xFFFF8000  }
0x8f: {  	v14 =	vld.msk [tilespmem:s28+$0x10], $0x3;
	_ =	sdelay $0x4  }
0x90: {  	v15 =	vshll.u32 v14, $0x7  }
0x91: {  	v14 =	vand.u32 $0x7, v14;
	v15 =	vand.u32 $0xFFFFFC00, v15  }
0x92: {  	v14 =	vor.u32 v14, v15  }
0x93: {  	v14 =	vperm.xlane v14, v12;
	_ =	sdelay $0x1  }
0x94: {  	v14 =	vadd.s32 v13, v14;
	_ =	sdelay $0x4  }
0x95: {  	[tilespmem:s30], [sflag:$0x3] =	stream.indirect_vreg.gather [hbm4b:s21+s4], $0x80, v14, vm0, $0xb8;
	[tilespmem:$0x18180] =	vst v63  }
0x96: {  	s1 =	rddreg [dreg:$0x5]  }
0x97: {  	[tilespmem:s1], [sflag:$0x3] =	stream.indirect_vreg.gather [hbm4b:s6+s4], $0x80, v14, vm0, $0xb8;
	[tilespmem:$0x18180] =	vst v63  }
0x98: {  	s24 =	rddreg [dreg:$0x6]  }
0x99: {  	[tilespmem:s24], [sflag:$0x3] =	stream.indirect_vreg.gather [hbm4b:s7+s4], $0x80, v14, vm0, $0xb8;
	[tilespmem:$0x18180] =	vst v63  }
0x9a: {  	s1 =	rddreg [dreg:$0x7]  }
0x9b: {  	[tilespmem:s1], [sflag:$0x3] =	stream.indirect_vreg.gather [hbm4b:s8+s4], $0x80, v14, vm0, $0xb8;
	[tilespmem:$0x18180] =	vst v63  }
0x9c: {  	s24 =	rddreg [dreg:$0x8]  }
0x9d: {  	[tilespmem:s24], [sflag:$0x3] =	stream.indirect_vreg.gather [hbm4b:s9+s4], $0x80, v14, vm0, $0xb8;
	[tilespmem:$0x18180] =	vst v63  }
0x9e: {  	s1 =	rddreg [dreg:$0x9]  }
0x9f: {  	[tilespmem:s1], [sflag:$0x3] =	stream.indirect_vreg.gather [hbm4b:s10+s4], $0x80, v14, vm0, $0xb8;
	[tilespmem:$0x18180] =	vst v63  }
0xa0: {  	s24 =	rddreg [dreg:$0xa]  }
0xa1: {  	[tilespmem:s24], [sflag:$0x3] =	stream.indirect_vreg.gather [hbm4b:s11+s4], $0x80, v14, vm0, $0xb8;
	[tilespmem:$0x18180] =	vst v63  }
0xa2: {  	s1 =	rddreg [dreg:$0xb]  }
0xa3: {  	[tilespmem:s1], [sflag:$0x3] =	stream.indirect_vreg.gather [hbm4b:s12+s4], $0x80, v14, vm0, $0xb8;
	[tilespmem:$0x18180] =	vst v63  }
0xa4: {  	s24 =	rddreg [dreg:$0xc]  }
0xa5: {  	[tilespmem:s24], [sflag:$0x3] =	stream.indirect_vreg.gather [hbm4b:s13+s4], $0x80, v14, vm0, $0xb8;
	[tilespmem:$0x18180] =	vst v63  }
0xa6: {  	s1 =	rddreg [dreg:$0xd]  }
0xa7: {  	[tilespmem:s1], [sflag:$0x3] =	stream.indirect_vreg.gather [hbm4b:s14+s4], $0x80, v14, vm0, $0xb8;
	[tilespmem:$0x18180] =	vst v63  }
0xa8: {  	s24 =	rddreg [dreg:$0xe]  }
0xa9: {  	[tilespmem:s24], [sflag:$0x3] =	stream.indirect_vreg.gather [hbm4b:s15+s4], $0x80, v14, vm0, $0xb8;
	[tilespmem:$0x18180] =	vst v63  }
0xaa: {  	s1 =	rddreg [dreg:$0xf]  }
0xab: {  	[tilespmem:s1], [sflag:$0x3] =	stream.indirect_vreg.gather [hbm4b:s18+s4], $0x80, v14, vm0, $0xb8;
	[tilespmem:$0x18180] =	vst v63  }
0xac: {  	s24 =	rddreg [dreg:$0x10]  }
0xad: {  	[tilespmem:s24], [sflag:$0x3] =	stream.indirect_vreg.gather [hbm4b:s19+s4], $0x80, v14, vm0, $0xb8;
	[tilespmem:$0x18180] =	vst v63  }
0xae: {  	s1 =	rddreg [dreg:$0x11]  }
0xaf: {  	[tilespmem:s1], [sflag:$0x3] =	stream.indirect_vreg.gather [hbm4b:s20+s4], $0x80, v14, vm0, $0xb8;
	[tilespmem:$0x18180] =	vst v63  }
0xb0: {  	s24 =	rddreg [dreg:$0x12]  }
0xb1: {  	[tilespmem:s24], [sflag:$0x3] =	stream.indirect_vreg.gather [hbm4b:s22+s4], $0x80, v14, vm0, $0xb8;
	[tilespmem:$0x18180] =	vst v63  }
0xb2: {  	s3 =	sadd.s32 $0x20, s17;
	s1 =	rddreg [dreg:$0x13]  }
0xb3: {  	[tilespmem:s1], [sflag:$0x3] =	stream.indirect_vreg.gather [hbm4b:s23+s4], $0x80, v14, vm0, $0xb8;
	[tilespmem:$0x18180] =	vst v63  }
0xb4: {  	s3 =	sand.u32 $0x60, s3;
	s1 =	simm.s32 $0x2  }
0xb5: {  	s3 =	sadd.s32 s2, s3;
	s24 =	sadd.s32 $0x1000, s5;
	_ =	swait.ge [sflag:s1], $0x8000  }
0xb6: {  	s28 =	sand.u32 $0xFFFC000, s24;
	s24 =	simm.s32 $0x8180;
	[sflag:s1] =	ssyncset.done $0x0  }
0xb7: {  	s3 =	sadd.s32 s28, s3;
	s28 =	simm.s32 $0x4;
	[sflag:s1] =	ssyncadd.s32 $0xFFFF8000  }
0xb8: {  	[hbm4b:s3+s31] =	stream.strided.scatter [tilespmem:s24], [sflag:$0x5], $0x8000, s29, s31, $0x38;
	[tilespmem:$0x18180] =	vst v63  }
0xb9: {  	s3 =	smov.u32 s16;
	_ =	swait.ge [sflag:s28], $0x8000  }
0xba: {  	s3 =	simm.s32 @p0 $0x0;
	[sflag:s28] =	ssyncset.done $0x0  }
0xbb: {  	s3 =	sshra.s32 s3, $0x2;
	[sflag:s28] =	ssyncadd.s32 $0xFFFF8000  }
0xbc: {  	v14 =	vld.msk [tilespmem:s3+$0x98], $0x3;
	_ =	sdelay $0x4  }
0xbd: {  	v15 =	vshll.u32 v14, $0x7  }
0xbe: {  	v14 =	vand.u32 $0x7, v14;
	v15 =	vand.u32 $0xFFFFFC00, v15  }
0xbf: {  	v14 =	vor.u32 v14, v15  }
0xc0: {  	v14 =	vperm.xlane v14, v12;
	_ =	sdelay $0x1  }
0xc1: {  	v14 =	vadd.s32 v13, v14;
	_ =	sdelay $0x4  }
0xc2: {  	[tilespmem:s26], [sflag:$0x1] =	stream.indirect_vreg.gather [hbm4b:s21+s4], $0x80, v14, vm0, $0xb8;
	[tilespmem:$0x18180] =	vst v63  }
0xc3: {  	s26 =	simm.s32 $0x980  }
0xc4: {  	[tilespmem:s26], [sflag:$0x1] =	stream.indirect_vreg.gather [hbm4b:s6+s4], $0x80, v14, vm0, $0xb8;
	[tilespmem:$0x18180] =	vst v63  }
0xc5: {  	s28 =	simm.s32 $0x1180  }
0xc6: {  	[tilespmem:s28], [sflag:$0x1] =	stream.indirect_vreg.gather [hbm4b:s7+s4], $0x80, v14, vm0, $0xb8;
	[tilespmem:$0x18180] =	vst v63  }
0xc7: {  	s28 =	simm.s32 $0x1980  }
0xc8: {  	[tilespmem:s28], [sflag:$0x1] =	stream.indirect_vreg.gather [hbm4b:s8+s4], $0x80, v14, vm0, $0xb8;
	[tilespmem:$0x18180] =	vst v63  }
0xc9: {  	s28 =	simm.s32 $0x2180  }
0xca: {  	[tilespmem:s28], [sflag:$0x1] =	stream.indirect_vreg.gather [hbm4b:s9+s4], $0x80, v14, vm0, $0xb8;
	[tilespmem:$0x18180] =	vst v63  }
0xcb: {  	s28 =	simm.s32 $0x2980  }
0xcc: {  	[tilespmem:s28], [sflag:$0x1] =	stream.indirect_vreg.gather [hbm4b:s10+s4], $0x80, v14, vm0, $0xb8;
	[tilespmem:$0x18180] =	vst v63  }
0xcd: {  	s28 =	simm.s32 $0x3180  }
0xce: {  	[tilespmem:s28], [sflag:$0x1] =	stream.indirect_vreg.gather [hbm4b:s11+s4], $0x80, v14, vm0, $0xb8;
	[tilespmem:$0x18180] =	vst v63  }
0xcf: {  	s28 =	simm.s32 $0x3980  }
0xd0: {  	[tilespmem:s28], [sflag:$0x1] =	stream.indirect_vreg.gather [hbm4b:s12+s4], $0x80, v14, vm0, $0xb8;
	[tilespmem:$0x18180] =	vst v63  }
0xd1: {  	s28 =	simm.s32 $0x4180  }
0xd2: {  	[tilespmem:s28], [sflag:$0x1] =	stream.indirect_vreg.gather [hbm4b:s13+s4], $0x80, v14, vm0, $0xb8;
	[tilespmem:$0x18180] =	vst v63  }
0xd3: {  	s28 =	simm.s32 $0x4980  }
0xd4: {  	[tilespmem:s28], [sflag:$0x1] =	stream.indirect_vreg.gather [hbm4b:s14+s4], $0x80, v14, vm0, $0xb8;
	[tilespmem:$0x18180] =	vst v63  }
0xd5: {  	s28 =	simm.s32 $0x5180  }
0xd6: {  	[tilespmem:s28], [sflag:$0x1] =	stream.indirect_vreg.gather [hbm4b:s15+s4], $0x80, v14, vm0, $0xb8;
	[tilespmem:$0x18180] =	vst v63  }
0xd7: {  	s28 =	simm.s32 $0x5980  }
0xd8: {  	[tilespmem:s28], [sflag:$0x1] =	stream.indirect_vreg.gather [hbm4b:s18+s4], $0x80, v14, vm0, $0xb8;
	[tilespmem:$0x18180] =	vst v63  }
0xd9: {  	s28 =	simm.s32 $0x6180  }
0xda: {  	[tilespmem:s28], [sflag:$0x1] =	stream.indirect_vreg.gather [hbm4b:s19+s4], $0x80, v14, vm0, $0xb8;
	[tilespmem:$0x18180] =	vst v63  }
0xdb: {  	s28 =	simm.s32 $0x6980  }
0xdc: {  	[tilespmem:s28], [sflag:$0x1] =	stream.indirect_vreg.gather [hbm4b:s20+s4], $0x80, v14, vm0, $0xb8;
	[tilespmem:$0x18180] =	vst v63  }
0xdd: {  	s28 =	simm.s32 $0x7180  }
0xde: {  	[tilespmem:s28], [sflag:$0x1] =	stream.indirect_vreg.gather [hbm4b:s22+s4], $0x80, v14, vm0, $0xb8;
	[tilespmem:$0x18180] =	vst v63  }
0xdf: {  	s17 =	sadd.s32 $0x40, s17;
	s28 =	simm.s32 $0x7980  }
0xe0: {  	[tilespmem:s28], [sflag:$0x1] =	stream.indirect_vreg.gather [hbm4b:s23+s4], $0x80, v14, vm0, $0xb8;
	[tilespmem:$0x18180] =	vst v63  }
0xe1: {  	s17 =	sand.u32 $0x60, s17;
	s28 =	sadd.s32 $0x2000, s5;
	_ =	swait.ge [sflag:s0], $0x8000  }
0xe2: {  	s17 =	sadd.s32 s2, s17;
	s28 =	sand.u32 $0xFFFC000, s28;
	[sflag:s0] =	ssyncset.done $0x0  }
0xe3: {  	s17 =	sadd.s32 s28, s17;
	s28 =	simm.s32 $0x5;
	[sflag:s0] =	ssyncadd.s32 $0xFFFF8000  }
0xe4: {  	[hbm4b:s17+s31] =	stream.strided.scatter [tilespmem:s30], [sflag:$0x6], $0x8000, s29, s31, $0x38;
	[tilespmem:$0x18180] =	vst v63  }
0xe5: {  	_ =	swait.ge [sflag:s28], $0x8000  }
0xe6: {  	[sflag:s28] =	ssyncset.done $0x0  }
0xe7: {  	[sflag:s28] =	ssyncadd.s32 $0xFFFF8000  }
0xe8: {  	v14 =	vld.msk [tilespmem:s3+$0xA0], $0x3;
	_ =	sdelay $0x4  }
0xe9: {  	v15 =	vshll.u32 v14, $0x7  }
0xea: {  	v14 =	vand.u32 $0x7, v14;
	v15 =	vand.u32 $0xFFFFFC00, v15  }
0xeb: {  	v14 =	vor.u32 v14, v15  }
0xec: {  	v14 =	vperm.xlane v14, v12;
	_ =	sdelay $0x1  }
0xed: {  	v14 =	vadd.s32 v13, v14;
	_ =	sdelay $0x4  }
0xee: {  	[tilespmem:s24], [sflag:$0x2] =	stream.indirect_vreg.gather [hbm4b:s21+s4], $0x80, v14, vm0, $0xb8;
	[tilespmem:$0x18180] =	vst v63  }
0xef: {  	s24 =	simm.s32 $0x8980  }
0xf0: {  	[tilespmem:s24], [sflag:$0x2] =	stream.indirect_vreg.gather [hbm4b:s6+s4], $0x80, v14, vm0, $0xb8;
	[tilespmem:$0x18180] =	vst v63  }
0xf1: {  	s28 =	simm.s32 $0x9180  }
0xf2: {  	[tilespmem:s28], [sflag:$0x2] =	stream.indirect_vreg.gather [hbm4b:s7+s4], $0x80, v14, vm0, $0xb8;
	[tilespmem:$0x18180] =	vst v63  }
0xf3: {  	s28 =	simm.s32 $0x9980  }
0xf4: {  	[tilespmem:s28], [sflag:$0x2] =	stream.indirect_vreg.gather [hbm4b:s8+s4], $0x80, v14, vm0, $0xb8;
	[tilespmem:$0x18180] =	vst v63  }
0xf5: {  	s28 =	simm.s32 $0xA180  }
0xf6: {  	[tilespmem:s28], [sflag:$0x2] =	stream.indirect_vreg.gather [hbm4b:s9+s4], $0x80, v14, vm0, $0xb8;
	[tilespmem:$0x18180] =	vst v63  }
0xf7: {  	s28 =	simm.s32 $0xA980  }
0xf8: {  	[tilespmem:s28], [sflag:$0x2] =	stream.indirect_vreg.gather [hbm4b:s10+s4], $0x80, v14, vm0, $0xb8;
	[tilespmem:$0x18180] =	vst v63  }
0xf9: {  	s28 =	simm.s32 $0xB180  }
0xfa: {  	[tilespmem:s28], [sflag:$0x2] =	stream.indirect_vreg.gather [hbm4b:s11+s4], $0x80, v14, vm0, $0xb8;
	[tilespmem:$0x18180] =	vst v63  }
0xfb: {  	s28 =	simm.s32 $0xB980  }
0xfc: {  	[tilespmem:s28], [sflag:$0x2] =	stream.indirect_vreg.gather [hbm4b:s12+s4], $0x80, v14, vm0, $0xb8;
	[tilespmem:$0x18180] =	vst v63  }
0xfd: {  	s28 =	simm.s32 $0xC180  }
0xfe: {  	[tilespmem:s28], [sflag:$0x2] =	stream.indirect_vreg.gather [hbm4b:s13+s4], $0x80, v14, vm0, $0xb8;
	[tilespmem:$0x18180] =	vst v63  }
0xff: {  	s28 =	simm.s32 $0xC980  }
0x100: {  	[tilespmem:s28], [sflag:$0x2] =	stream.indirect_vreg.gather [hbm4b:s14+s4], $0x80, v14, vm0, $0xb8;
	[tilespmem:$0x18180] =	vst v63  }
0x101: {  	s28 =	simm.s32 $0xD180  }
0x102: {  	[tilespmem:s28], [sflag:$0x2] =	stream.indirect_vreg.gather [hbm4b:s15+s4], $0x80, v14, vm0, $0xb8;
	[tilespmem:$0x18180] =	vst v63  }
0x103: {  	s28 =	simm.s32 $0xD980  }
0x104: {  	[tilespmem:s28], [sflag:$0x2] =	stream.indirect_vreg.gather [hbm4b:s18+s4], $0x80, v14, vm0, $0xb8;
	[tilespmem:$0x18180] =	vst v63  }
0x105: {  	s16 =	sadd.s32 $0x60, s16;
	s28 =	simm.s32 $0xE180  }
0x106: {  	[tilespmem:s28], [sflag:$0x2] =	stream.indirect_vreg.gather [hbm4b:s19+s4], $0x80, v14, vm0, $0xb8;
	[tilespmem:$0x18180] =	vst v63  }
0x107: {  	p0 =	sne.s32 s16, $0x300;
	s28 =	simm.s32 $0xE980  }
0x108: {  	[tilespmem:s28], [sflag:$0x2] =	stream.indirect_vreg.gather [hbm4b:s20+s4], $0x80, v14, vm0, $0xb8;
	[tilespmem:$0x18180] =	vst v63  }
.Ltmp0:
0x109: {  	_ = 	snop;
	(pc) =	sbr.rel @p0 .LBB2_2-.Ltmp0, $4  }
0x10a: {  	s1 =	simm.s32 $0x180;
	s28 =	simm.s32 $0xF180  }
0x10b: {  	[tilespmem:s28], [sflag:$0x2] =	stream.indirect_vreg.gather [hbm4b:s22+s4], $0x80, v14, vm0, $0xb8;
	[tilespmem:$0x18180] =	vst v63  }
0x10c: {  	s5 =	sadd.s32 $0x3000, s5;
	s3 =	simm.s32 $0x8180;
	s28 =	simm.s32 $0xF980  }
0x10d: {  	[tilespmem:s28], [sflag:$0x2] =	stream.indirect_vreg.gather [hbm4b:s23+s4], $0x80, v14, vm0, $0xb8;
	[tilespmem:$0x18180] =	vst v63  }
0x10e: {  	_ =	swait.ge [sflag:s25], $0x8000  }
0x10f: {  	s0 =	simm.s32 $0x400;
	s5 =	simm.s32 $0x100;
	[sflag:s25] =	ssyncset.done $0x0  }
0x110: {  	s17 =	simm.s32 $0x2;
	s2 =	rddreg [dreg:$0x15];
	[sflag:s25] =	ssyncadd.s32 $0xFFFF8000  }
0x111: {  	[hbm4b:s2+s5] =	stream.strided.scatter [tilespmem:s1], [sflag:$0x4], $0x8000, s0, s5, $0x38;
	[tilespmem:$0x18180] =	vst v63  }
0x112: {  	_ =	swait.ge [sflag:s17], $0x8000  }
0x113: {  	[sflag:s17] =	ssyncset.done $0x0  }
0x114: {  	s2 =	simm.s32 $0x6;
	s25 =	rddreg [dreg:$0x16];
	[sflag:s17] =	ssyncadd.s32 $0xFFFF8000  }
0x115: {  	[hbm4b:s25+s5] =	stream.strided.scatter [tilespmem:s3], [sflag:$0x5], $0x8000, s0, s5, $0x38;
	[tilespmem:$0x18180] =	vst v63  }
0x116: {  	_ =	swait.ge [sflag:s2], $0x8000  }
0x117: {  	[sflag:s2] =	ssyncset.done $0x0  }
0x118: {  	s5 =	simm.s32 $0x4;
	[sflag:s2] =	ssyncadd.s32 $0xFFFF8000  }
0x119: {  	_ =	swait.ge [sflag:s5], $0x8000  }
0x11a: {  	[sflag:s5] =	ssyncset.done $0x0  }
0x11b: {  	s16 =	simm.s32 $0x5;
	[sflag:s5] =	ssyncadd.s32 $0xFFFF8000  }
0x11c: {  	_ =	swait.ge [sflag:s16], $0x8000  }
0x11d: {  	s17 =	rddreg [dreg:$0x19]  }
0x11e: {  	s25 =	rddreg [dreg:$0x18];
	s0 =	sadd.s32 $0x1, s17  }
0x11f: {  	p0 =	sne.s32 s0, s25  }
.Ltmp1:
0x120: {  	_ = 	snop;
	(pc) =	sbr.rel @p0 .LBB2_1-.Ltmp1, $4  }
0x121: {  	_ = 	snop  }
0x122: {  	s28 =	simm.s32 $0x3180;
	[sflag:s16] =	ssyncset.done $0x0  }
0x123: {  	s5 =	simm.s32 $0x1180;
	[sflag:s16] =	ssyncadd.s32 $0xFFFF8000;
	s16 =	simm.s32 $0x1980  }
0x124: {  	s17 =	simm.s32 $0x2180;
	s25 =	smov.u32 s21;
	s21 =	simm.s32 $0x2980  }
0x125: {  	_ =	sfence.sel $0x180000  }
0x126: {  	[bflag:$0x0] =	sbarrier.arrive $0xFFFF  }
0x127: {  	_ =	strace $0x90000047  }
0x128: {  	s0 =	stileid.u32;
	[bflag:$0x2] =	sbarrier.arrive $0xFFFF  }
0x129: {  	p0 =	sne.s32 s0, $0x0;
	s0 =	rddreg [dreg:$0x3]  }
0x12a: {  	s0 =	sadd.s32 @!p0 $0x100000, s0  }
0x12b: {  	[sflag:s0] =	ssyncadd.tile.s32 @!p0 $0x1;
	_ =	shalt  }
.Lfunc_end2:
_tile_overlayer_lowered:
.L_overlay_start_2:
0x12c: {  	(tag) =	ssettag $0x2  }
0x12d: {  	s0 =	rddreg [dreg:$0x0];
	s2 =	stileid.u32  }
0x12e: {  	s1 =	rddreg [dreg:$0x1];
	p0 =	sne.s32 s2, $0x0  }
0x12f: {  	s3 =	rddreg [dreg:$0x2];
	[bflag:$0x3] =	sbarrier.arrive $0xFFFF;
	s2 =	simm.s32 @!p0 $0x1C07  }
0x130: {  	[timem:s3], [sflag:s2] =	dma.local @!p0 [hbm:s0], s1  }
0x131: {  	s0 =	simm.s32 @!p0 $0x7  }
0x132: {  	_ =	swait.ge @!p0 [sflag:s0], s1  }
0x133: {  	s1 =	ssub.s32 @!p0 $0x0, s1;
	[sflag:s0] =	ssyncset.done @!p0 $0x0  }
0x134: {  	[sflag:s0] =	ssyncadd.s32 @!p0 s1  }
0x135: {  	[bflag:$0x3] =	sbarrier.arrive $0xFFFF  }
0x136: {  	_ =	shalt  }

</sc_bundles>
